<compile_context>
chip_gen: v7x
topology: tpu7x:2x2x1
jax: 0.10.2.dev20260603
libtpu: 0.0.44.dev20260713+nightly
codegen_flags: <defaults>
</compile_context>

<pallas_src>
import dataclasses
import functools

import jax
import jax.numpy as jnp
from jax import lax
from jax.experimental import pallas as pl
from jax.experimental.pallas import tpu as pltpu
from jax.experimental.pallas import tpu_sc as plsc

N_ENT = 1000000
N_REL = 1000
HALF_ENT = N_ENT // 2
HALF_REL = N_REL // 2
D = 64
B = 16384
MARGIN = 1.0

NC = 2
NS = 16
NW = NC * NS

R_PER_W = B // NW
CH = 128
C_PER_SUB = R_PER_W // CH

PACK_BLK = 5000
PACK_GRID = HALF_ENT // PACK_BLK

BLK = 2048
GRID = B // BLK


def _sc_compiler_params():
    cp = pltpu.CompilerParams()
    if "needs_layout_passes" in pltpu.CompilerParams.__dataclass_fields__:
        cp = dataclasses.replace(cp, needs_layout_passes=False)
    return cp


PACK_W = 12800
PACK_NW_FULL = N_ENT // PACK_W
PACK_TAIL = N_ENT - PACK_NW_FULL * PACK_W
assert PACK_W % 128 == 0 and PACK_NW_FULL % 2 == 0


def _pack_body(x_hbm, tail_hbm, o_hbm,
               xb0, xb1, zb0, zb1, isem0, isem1, osem0, osem1):
    xbs, zbs = (xb0, xb1), (zb0, zb1)
    isems, osems = (isem0, isem1), (osem0, osem1)
    W, HW, NWF = PACK_W, PACK_W // 2, PACK_NW_FULL

    def start_in(i, b):
        col0 = pl.multiple_of(i * W, 128)
        pltpu.make_async_copy(x_hbm.at[:, pl.ds(col0, W)], xbs[b], isems[b]).start()

    def wait_in(b):
        pltpu.make_async_copy(x_hbm.at[:, pl.ds(0, W)], xbs[b], isems[b]).wait()

    def compute(b):
        y = jnp.transpose(xbs[b][...])
        zbs[b][:, :D] = y[:HW]
        zbs[b][:, D:] = y[HW:]

    def start_out(i, b):
        pltpu.make_async_copy(
            zbs[b], o_hbm.at[pl.ds(pl.multiple_of(i * HW, 8), HW)], osems[b]
        ).start()

    def wait_out(b):
        pltpu.make_async_copy(zbs[b], o_hbm.at[pl.ds(0, HW)], osems[b]).wait()

    start_in(0, 0)

    @pl.loop(0, NWF // 2)
    def _(k):
        i0 = k * 2
        start_in(i0 + 1, 1)
        wait_in(0)

        @pl.when(k > 0)
        def _():
            wait_out(0)

        compute(0)
        start_out(i0, 0)

        @pl.when(k < NWF // 2 - 1)
        def _():
            start_in(i0 + 2, 0)

        wait_in(1)

        @pl.when(k > 0)
        def _():
            wait_out(1)

        compute(1)
        start_out(i0 + 1, 1)

    wait_out(0)
    wait_out(1)

    tcp = pltpu.make_async_copy(
        tail_hbm, o_hbm.at[pl.ds(NWF * W // 2, PACK_TAIL // 2)], osem0)
    tcp.start()
    tcp.wait()


def _pack_entity(ent):
    ent_t = jnp.transpose(ent)
    t = ent[PACK_NW_FULL * PACK_W:]
    tail = jnp.concatenate([t[: PACK_TAIL // 2], t[PACK_TAIL // 2:]], axis=1)
    return pl.pallas_call(
        _pack_body,
        in_specs=[
            pl.BlockSpec(memory_space=pltpu.MemorySpace.HBM),
            pl.BlockSpec(memory_space=pltpu.MemorySpace.HBM),
        ],
        out_specs=pl.BlockSpec(memory_space=pltpu.MemorySpace.HBM),
        out_shape=jax.ShapeDtypeStruct((HALF_ENT, 2 * D), jnp.float32),
        scratch_shapes=[
            pltpu.VMEM((D, PACK_W), jnp.float32),
            pltpu.VMEM((D, PACK_W), jnp.float32),
            pltpu.VMEM((PACK_W // 2, 2 * D), jnp.float32),
            pltpu.VMEM((PACK_W // 2, 2 * D), jnp.float32),
            pltpu.SemaphoreType.DMA,
            pltpu.SemaphoreType.DMA,
            pltpu.SemaphoreType.DMA,
            pltpu.SemaphoreType.DMA,
        ],
    )(ent_t, tail)


def _gather_rows(ent2, rel2, eidx2d, ridx2d):
    mesh = plsc.VectorSubcoreMesh(core_axis_name="core", subcore_axis_name="subcore")

    row_type = jax.ShapeDtypeStruct((B, 2 * D), jnp.float32)

    @functools.partial(
        pl.kernel,
        out_type=(row_type, row_type, row_type, row_type, row_type),
        mesh=mesh,
        scratch_types=[
            pltpu.VMEM((5 * C_PER_SUB, CH), jnp.int32),
            pltpu.VMEM((CH, 2 * D), jnp.float32),
            pltpu.VMEM((CH, 2 * D), jnp.float32),
            pltpu.SemaphoreType.DMA,
            pltpu.SemaphoreType.DMA,
        ],
        compiler_params=_sc_compiler_params(),
    )
    def gk(ent_hbm, rel_hbm, eidx_hbm, ridx_hbm,
           h_out, t_out, hn_out, tn_out, rel_out,
           idx_v, rows_v0, rows_v1, sem0, sem1):
        wid = lax.axis_index("subcore") * NC + lax.axis_index("core")
        rows_vs = (rows_v0, rows_v1)
        sems = (sem0, sem1)

        for k in range(4):
            pltpu.sync_copy(
                eidx_hbm.at[pl.ds(k * (B // CH) + wid * C_PER_SUB, C_PER_SUB)],
                idx_v.at[pl.ds(k * C_PER_SUB, C_PER_SUB)])
        pltpu.sync_copy(
            ridx_hbm.at[pl.ds(wid * C_PER_SUB, C_PER_SUB)],
            idx_v.at[pl.ds(4 * C_PER_SUB, C_PER_SUB)])

        work = []
        for k, out in enumerate((h_out, t_out, hn_out, tn_out)):
            for c in range(C_PER_SUB):
                work.append((ent_hbm, k * C_PER_SUB + c, out, c))
        for c in range(C_PER_SUB):
            work.append((rel_hbm, 4 * C_PER_SUB + c, rel_out, c))

        handles = {}

        def start(n):
            tab, irow, _, _ = work[n]
            handles[n] = pltpu.make_async_copy(
                tab.at[idx_v.at[irow]], rows_vs[n % 2], sems[n % 2])
            handles[n].start()

        def finish(n):
            _, _, out, c = work[n]
            handles.pop(n).wait()
            base = (wid * C_PER_SUB + c) * CH
            pltpu.sync_copy(rows_vs[n % 2], out.at[pl.ds(base, CH)])

        start(0)
        for n in range(len(work)):
            if n + 1 < len(work):
                start(n + 1)
            finish(n)

    return gk(ent2, rel2, eidx2d, ridx2d)


def _loss_body(h_ref, t_ref, hn_ref, tn_ref, r_ref, p_ref, out_ref):
    i = pl.program_id(0)
    pbits = p_ref[...]

    def pick(x2, bit):
        p = (pbits >> bit) & 1
        return jnp.where(p != 0, x2[:, D:], x2[:, :D])

    def nrm(x):
        n = jnp.sqrt(jnp.sum(x * x, axis=1, keepdims=True))
        return x * (1.0 / (n + 1e-12))

    h = nrm(pick(h_ref[...], 0))
    t = nrm(pick(t_ref[...], 1))
    hn = nrm(pick(hn_ref[...], 2))
    tn = nrm(pick(tn_ref[...], 3))
    r = pick(r_ref[...], 4)
    pos = jnp.sum(jnp.abs(h + r - t), axis=1)
    neg = jnp.sum(jnp.abs(hn + r - tn), axis=1)
    part = jnp.sum(jnp.maximum(MARGIN + pos - neg, 0.0)) * (1.0 / B)

    @pl.when(i == 0)
    def _():
        out_ref[...] = jnp.zeros_like(out_ref)

    out_ref[...] += jnp.reshape(part, (1, 1))


def kernel(entity_embedding, relation_embedding, pos_h, pos_r, pos_t, neg_h, neg_t):
    ent2 = _pack_entity(entity_embedding)
    rel2 = jnp.reshape(relation_embedding, (HALF_REL, 2 * D))

    eidx = jnp.concatenate([pos_h, pos_t, neg_h, neg_t])
    blk = eidx // PACK_W
    rem = eidx % PACK_W
    hw = jnp.where(blk >= PACK_NW_FULL, PACK_TAIL // 2, PACK_W // 2)
    epair = jnp.minimum(blk, PACK_NW_FULL) * (PACK_W // 2) + rem % hw
    epar = rem // hw
    rpair = pos_r >> 1
    rpar = pos_r & 1

    g_h, g_t, g_hn, g_tn, g_rel = _gather_rows(
        ent2, rel2,
        epair.reshape(4 * B // CH, CH),
        rpair.reshape(B // CH, CH),
    )

    ep = epar.reshape(4, B)
    pbits = (ep[0] | (ep[1] << 1) | (ep[2] << 2) | (ep[3] << 3)
             | (rpar << 4)).reshape(B, 1)

    loss = pl.pallas_call(
        _loss_body,
        grid=(GRID,),
        in_specs=[
            pl.BlockSpec((BLK, 2 * D), lambda i: (i, 0)),
            pl.BlockSpec((BLK, 2 * D), lambda i: (i, 0)),
            pl.BlockSpec((BLK, 2 * D), lambda i: (i, 0)),
            pl.BlockSpec((BLK, 2 * D), lambda i: (i, 0)),
            pl.BlockSpec((BLK, 2 * D), lambda i: (i, 0)),
            pl.BlockSpec((BLK, 1), lambda i: (i, 0)),
        ],
        out_specs=pl.BlockSpec((1, 1), lambda i: (0, 0)),
        out_shape=jax.ShapeDtypeStruct((1, 1), jnp.float32),
    )(g_h, g_t, g_hn, g_tn, g_rel, pbits)
    return loss[0, 0]

# --- scband reference (transcript-rebuilt; emitter-appended) ---
"""Pipeline reference for scband-ctrans-e-73117523247527 (READ-ONLY COPY).

The authoritative reference and input builder live on the scoring server;
editing this copy changes nothing except your own understanding.
"""

import jax, jax.numpy as jnp
import numpy as np

N_ENT = 1000000
N_REL = 1000
D = 64
B = 16384
MARGIN = 1.0


def setup_inputs(seed: int = 0) -> dict:
    key = jax.random.key(seed)
    ks = jax.random.split(key, 7)
    min_val = -6.0 / np.sqrt(D)
    max_val = -min_val
    entity_embedding = jax.random.uniform(ks[0], (N_ENT, D), minval=min_val, maxval=max_val, dtype=jnp.float32)
    relation_embedding = jax.random.uniform(ks[1], (N_REL, D), minval=min_val, maxval=max_val, dtype=jnp.float32)
    pos_h = jax.random.randint(ks[2], (B,), 0, N_ENT, dtype=jnp.int32)
    pos_r = jax.random.randint(ks[3], (B,), 0, N_REL, dtype=jnp.int32)
    pos_t = jax.random.randint(ks[4], (B,), 0, N_ENT, dtype=jnp.int32)
    neg_h = jax.random.randint(ks[5], (B,), 0, N_ENT, dtype=jnp.int32)
    neg_t = jax.random.randint(ks[6], (B,), 0, N_ENT, dtype=jnp.int32)
    return {
        "entity_embedding": entity_embedding,
        "relation_embedding": relation_embedding,
        "pos_h": pos_h,
        "pos_r": pos_r,
        "pos_t": pos_t,
        "neg_h": neg_h,
        "neg_t": neg_t,
    }


def reference(entity_embedding, relation_embedding, pos_h, pos_r, pos_t, neg_h, neg_t):
    # normalization step run before each batch: entity table is L2-normalized
    ent = entity_embedding / (jnp.linalg.norm(entity_embedding, axis=-1, keepdims=True) + 1e-12)
    h = jnp.take(ent, pos_h, axis=0)
    r = jnp.take(relation_embedding, pos_r, axis=0)
    t = jnp.take(ent, pos_t, axis=0)
    hn = jnp.take(ent, neg_h, axis=0)
    tn = jnp.take(ent, neg_t, axis=0)
    pos_dist = jnp.sum(jnp.abs(h + r - t), axis=-1)
    neg_dist = jnp.sum(jnp.abs(hn + r - tn), axis=-1)
    loss = jnp.mean(jnp.maximum(MARGIN + pos_dist - neg_dist, 0.0))
    return loss

if __name__ == "__main__":
    import jax
    _d = setup_inputs()
    print(jax.jit(kernel)(*tuple(_d.values())))

</pallas_src>

<mosaic_0001>
#map = affine_map<(d0, d1) -> (0, 0)>
module attributes {stable_mosaic.version = 14 : i64} {
  func.func @gk(%arg0: i32, %arg1: i32, %arg2: memref<500000x128xf32, #tpu.memory_space<hbm>>, %arg3: memref<500x128xf32, #tpu.memory_space<hbm>>, %arg4: memref<512x128xi32, #tpu.memory_space<hbm>>, %arg5: memref<128x128xi32, #tpu.memory_space<hbm>>, %arg6: memref<16384x128xf32, #tpu.memory_space<hbm>>, %arg7: memref<16384x128xf32, #tpu.memory_space<hbm>>, %arg8: memref<16384x128xf32, #tpu.memory_space<hbm>>, %arg9: memref<16384x128xf32, #tpu.memory_space<hbm>>, %arg10: memref<16384x128xf32, #tpu.memory_space<hbm>>, %arg11: memref<20x128xi32, #tpu.memory_space<vmem>>, %arg12: memref<128x128xf32, #tpu.memory_space<vmem>>, %arg13: memref<128x128xf32, #tpu.memory_space<vmem>>, %arg14: memref<!tpu.dma_semaphore, #tpu.memory_space<semaphore_mem>>, %arg15: memref<!tpu.dma_semaphore, #tpu.memory_space<semaphore_mem>>) attributes {dimension_semantics = [#tpu.dimension_semantics<core_parallel>, #tpu.dimension_semantics<subcore_parallel>], iteration_bounds = array<i64: 2, 16>, scalar_prefetch = 0 : i64, scratch_operands = 5 : i64, tpu.core_type = #tpu.core_type<sc_vector_subcore>, window_params = [{transform_indices = #map}, {transform_indices = #map}, {transform_indices = #map}, {transform_indices = #map}, {transform_indices = #map}, {transform_indices = #map}, {transform_indices = #map}, {transform_indices = #map}, {transform_indices = #map}]} {
    %mul3A = arith.constant 2 : i32
    %mul3A_0 = arith.muli %arg1, %mul3A : i32
    %add3A = arith.addi %mul3A_0, %arg0 : i32
    %mul3A_1 = arith.constant 4 : i32
    %mul3A_2 = arith.muli %add3A, %mul3A_1 : i32
    %add3A_3 = arith.constant 0 : i32
    %add3A_4 = arith.addi %add3A_3, %mul3A_2 : i32
    "tpu.region"() ({
      %run_scoped3A = tpu.sem_alloc : memref<!tpu.dma_semaphore, #tpu.memory_space<semaphore_mem>>
      %dma_start3A_417 = arith.constant 0 : i32
      %dma_start3A_418 = arith.constant 0 : i32
      %dma_start3A_419 = tpu.memref_slice %arg11[%dma_start3A_417, %dma_start3A_418] : memref<20x128xi32, #tpu.memory_space<vmem>> -> memref<4x128xi32, #tpu.memory_space<vmem>>
      %dma_start3A_420 = arith.constant 0 : i32
      %dma_start3A_421 = tpu.memref_slice %arg4[%add3A_4, %dma_start3A_420] : memref<512x128xi32, #tpu.memory_space<hbm>> -> memref<4x128xi32, #tpu.memory_space<hbm>>
      %dma_start3A_422 = arith.constant 0 : i32
      %dma_start3A_423 = arith.constant 0 : i32
      %dma_start3A_424 = tpu.memref_slice %arg11[%dma_start3A_422, %dma_start3A_423] : memref<20x128xi32, #tpu.memory_space<vmem>> -> memref<4x128xi32, #tpu.memory_space<vmem>>
      %dma_start3A_425 = arith.constant 0 : i32
      %dma_start3A_426 = tpu.memref_slice %arg4[%add3A_4, %dma_start3A_425] : memref<512x128xi32, #tpu.memory_space<hbm>> -> memref<4x128xi32, #tpu.memory_space<hbm>>
      tpu.enqueue_dma source(%dma_start3A_426 : memref<4x128xi32, #tpu.memory_space<hbm>>) target(%dma_start3A_424 : memref<4x128xi32, #tpu.memory_space<vmem>>) target_semaphore(%run_scoped3A : memref<!tpu.dma_semaphore, #tpu.memory_space<semaphore_mem>>)
      %dma_wait3A_427 = arith.constant 0 : i32
      %dma_wait3A_428 = arith.constant 0 : i32
      %dma_wait3A_429 = tpu.memref_slice %arg11[%dma_wait3A_427, %dma_wait3A_428] : memref<20x128xi32, #tpu.memory_space<vmem>> -> memref<4x128xi32, #tpu.memory_space<vmem>>
      %dma_wait3A_430 = arith.constant 0 : i32
      %dma_wait3A_431 = tpu.memref_slice %arg4[%add3A_4, %dma_wait3A_430] : memref<512x128xi32, #tpu.memory_space<hbm>> -> memref<4x128xi32, #tpu.memory_space<hbm>>
      %dma_wait3A_432 = arith.constant 0 : i32
      %dma_wait3A_433 = arith.constant 0 : i32
      %dma_wait3A_434 = tpu.memref_slice %arg11[%dma_wait3A_432, %dma_wait3A_433] : memref<20x128xi32, #tpu.memory_space<vmem>> -> memref<4x128xi32, #tpu.memory_space<vmem>>
      %dma_wait3A_435 = arith.constant 0 : i32
      %dma_wait3A_436 = tpu.memref_slice %arg4[%add3A_4, %dma_wait3A_435] : memref<512x128xi32, #tpu.memory_space<hbm>> -> memref<4x128xi32, #tpu.memory_space<hbm>>
      tpu.wait_dma2 semaphore(%run_scoped3A : memref<!tpu.dma_semaphore, #tpu.memory_space<semaphore_mem>>) src(%dma_wait3A_436 : memref<4x128xi32, #tpu.memory_space<hbm>>) dst(%dma_wait3A_434 : memref<4x128xi32, #tpu.memory_space<vmem>>)
      tpu.yield
    }) : () -> ()
    %mul3A_5 = arith.constant 4 : i32
    %mul3A_6 = arith.muli %add3A, %mul3A_5 : i32
    %add3A_7 = arith.constant 128 : i32
    %add3A_8 = arith.addi %add3A_7, %mul3A_6 : i32
    "tpu.region"() ({
      %run_scoped3A = tpu.sem_alloc : memref<!tpu.dma_semaphore, #tpu.memory_space<semaphore_mem>>
      %dma_start3A_417 = arith.constant 4 : i32
      %dma_start3A_418 = arith.constant 0 : i32
      %dma_start3A_419 = tpu.memref_slice %arg11[%dma_start3A_417, %dma_start3A_418] : memref<20x128xi32, #tpu.memory_space<vmem>> -> memref<4x128xi32, #tpu.memory_space<vmem>>
      %dma_start3A_420 = arith.constant 0 : i32
      %dma_start3A_421 = tpu.memref_slice %arg4[%add3A_8, %dma_start3A_420] : memref<512x128xi32, #tpu.memory_space<hbm>> -> memref<4x128xi32, #tpu.memory_space<hbm>>
      %dma_start3A_422 = arith.constant 4 : i32
      %dma_start3A_423 = arith.constant 0 : i32
      %dma_start3A_424 = tpu.memref_slice %arg11[%dma_start3A_422, %dma_start3A_423] : memref<20x128xi32, #tpu.memory_space<vmem>> -> memref<4x128xi32, #tpu.memory_space<vmem>>
      %dma_start3A_425 = arith.constant 0 : i32
      %dma_start3A_426 = tpu.memref_slice %arg4[%add3A_8, %dma_start3A_425] : memref<512x128xi32, #tpu.memory_space<hbm>> -> memref<4x128xi32, #tpu.memory_space<hbm>>
      tpu.enqueue_dma source(%dma_start3A_426 : memref<4x128xi32, #tpu.memory_space<hbm>>) target(%dma_start3A_424 : memref<4x128xi32, #tpu.memory_space<vmem>>) target_semaphore(%run_scoped3A : memref<!tpu.dma_semaphore, #tpu.memory_space<semaphore_mem>>)
      %dma_wait3A_427 = arith.constant 4 : i32
      %dma_wait3A_428 = arith.constant 0 : i32
      %dma_wait3A_429 = tpu.memref_slice %arg11[%dma_wait3A_427, %dma_wait3A_428] : memref<20x128xi32, #tpu.memory_space<vmem>> -> memref<4x128xi32, #tpu.memory_space<vmem>>
      %dma_wait3A_430 = arith.constant 0 : i32
      %dma_wait3A_431 = tpu.memref_slice %arg4[%add3A_8, %dma_wait3A_430] : memref<512x128xi32, #tpu.memory_space<hbm>> -> memref<4x128xi32, #tpu.memory_space<hbm>>
      %dma_wait3A_432 = arith.constant 4 : i32
      %dma_wait3A_433 = arith.constant 0 : i32
      %dma_wait3A_434 = tpu.memref_slice %arg11[%dma_wait3A_432, %dma_wait3A_433] : memref<20x128xi32, #tpu.memory_space<vmem>> -> memref<4x128xi32, #tpu.memory_space<vmem>>
      %dma_wait3A_435 = arith.constant 0 : i32
      %dma_wait3A_436 = tpu.memref_slice %arg4[%add3A_8, %dma_wait3A_435] : memref<512x128xi32, #tpu.memory_space<hbm>> -> memref<4x128xi32, #tpu.memory_space<hbm>>
      tpu.wait_dma2 semaphore(%run_scoped3A : memref<!tpu.dma_semaphore, #tpu.memory_space<semaphore_mem>>) src(%dma_wait3A_436 : memref<4x128xi32, #tpu.memory_space<hbm>>) dst(%dma_wait3A_434 : memref<4x128xi32, #tpu.memory_space<vmem>>)
      tpu.yield
    }) : () -> ()
    %mul3A_9 = arith.constant 4 : i32
    %mul3A_10 = arith.muli %add3A, %mul3A_9 : i32
    %add3A_11 = arith.constant 256 : i32
    %add3A_12 = arith.addi %add3A_11, %mul3A_10 : i32
    "tpu.region"() ({
      %run_scoped3A = tpu.sem_alloc : memref<!tpu.dma_semaphore, #tpu.memory_space<semaphore_mem>>
      %dma_start3A_417 = arith.constant 8 : i32
      %dma_start3A_418 = arith.constant 0 : i32
      %dma_start3A_419 = tpu.memref_slice %arg11[%dma_start3A_417, %dma_start3A_418] : memref<20x128xi32, #tpu.memory_space<vmem>> -> memref<4x128xi32, #tpu.memory_space<vmem>>
      %dma_start3A_420 = arith.constant 0 : i32
      %dma_start3A_421 = tpu.memref_slice %arg4[%add3A_12, %dma_start3A_420] : memref<512x128xi32, #tpu.memory_space<hbm>> -> memref<4x128xi32, #tpu.memory_space<hbm>>
      %dma_start3A_422 = arith.constant 8 : i32
      %dma_start3A_423 = arith.constant 0 : i32
      %dma_start3A_424 = tpu.memref_slice %arg11[%dma_start3A_422, %dma_start3A_423] : memref<20x128xi32, #tpu.memory_space<vmem>> -> memref<4x128xi32, #tpu.memory_space<vmem>>
      %dma_start3A_425 = arith.constant 0 : i32
      %dma_start3A_426 = tpu.memref_slice %arg4[%add3A_12, %dma_start3A_425] : memref<512x128xi32, #tpu.memory_space<hbm>> -> memref<4x128xi32, #tpu.memory_space<hbm>>
      tpu.enqueue_dma source(%dma_start3A_426 : memref<4x128xi32, #tpu.memory_space<hbm>>) target(%dma_start3A_424 : memref<4x128xi32, #tpu.memory_space<vmem>>) target_semaphore(%run_scoped3A : memref<!tpu.dma_semaphore, #tpu.memory_space<semaphore_mem>>)
      %dma_wait3A_427 = arith.constant 8 : i32
      %dma_wait3A_428 = arith.constant 0 : i32
      %dma_wait3A_429 = tpu.memref_slice %arg11[%dma_wait3A_427, %dma_wait3A_428] : memref<20x128xi32, #tpu.memory_space<vmem>> -> memref<4x128xi32, #tpu.memory_space<vmem>>
      %dma_wait3A_430 = arith.constant 0 : i32
      %dma_wait3A_431 = tpu.memref_slice %arg4[%add3A_12, %dma_wait3A_430] : memref<512x128xi32, #tpu.memory_space<hbm>> -> memref<4x128xi32, #tpu.memory_space<hbm>>
      %dma_wait3A_432 = arith.constant 8 : i32
      %dma_wait3A_433 = arith.constant 0 : i32
      %dma_wait3A_434 = tpu.memref_slice %arg11[%dma_wait3A_432, %dma_wait3A_433] : memref<20x128xi32, #tpu.memory_space<vmem>> -> memref<4x128xi32, #tpu.memory_space<vmem>>
      %dma_wait3A_435 = arith.constant 0 : i32
      %dma_wait3A_436 = tpu.memref_slice %arg4[%add3A_12, %dma_wait3A_435] : memref<512x128xi32, #tpu.memory_space<hbm>> -> memref<4x128xi32, #tpu.memory_space<hbm>>
      tpu.wait_dma2 semaphore(%run_scoped3A : memref<!tpu.dma_semaphore, #tpu.memory_space<semaphore_mem>>) src(%dma_wait3A_436 : memref<4x128xi32, #tpu.memory_space<hbm>>) dst(%dma_wait3A_434 : memref<4x128xi32, #tpu.memory_space<vmem>>)
      tpu.yield
    }) : () -> ()
    %mul3A_13 = arith.constant 4 : i32
    %mul3A_14 = arith.muli %add3A, %mul3A_13 : i32
    %add3A_15 = arith.constant 384 : i32
    %add3A_16 = arith.addi %add3A_15, %mul3A_14 : i32
    "tpu.region"() ({
      %run_scoped3A = tpu.sem_alloc : memref<!tpu.dma_semaphore, #tpu.memory_space<semaphore_mem>>
      %dma_start3A_417 = arith.constant 12 : i32
      %dma_start3A_418 = arith.constant 0 : i32
      %dma_start3A_419 = tpu.memref_slice %arg11[%dma_start3A_417, %dma_start3A_418] : memref<20x128xi32, #tpu.memory_space<vmem>> -> memref<4x128xi32, #tpu.memory_space<vmem>>
      %dma_start3A_420 = arith.constant 0 : i32
      %dma_start3A_421 = tpu.memref_slice %arg4[%add3A_16, %dma_start3A_420] : memref<512x128xi32, #tpu.memory_space<hbm>> -> memref<4x128xi32, #tpu.memory_space<hbm>>
      %dma_start3A_422 = arith.constant 12 : i32
      %dma_start3A_423 = arith.constant 0 : i32
      %dma_start3A_424 = tpu.memref_slice %arg11[%dma_start3A_422, %dma_start3A_423] : memref<20x128xi32, #tpu.memory_space<vmem>> -> memref<4x128xi32, #tpu.memory_space<vmem>>
      %dma_start3A_425 = arith.constant 0 : i32
      %dma_start3A_426 = tpu.memref_slice %arg4[%add3A_16, %dma_start3A_425] : memref<512x128xi32, #tpu.memory_space<hbm>> -> memref<4x128xi32, #tpu.memory_space<hbm>>
      tpu.enqueue_dma source(%dma_start3A_426 : memref<4x128xi32, #tpu.memory_space<hbm>>) target(%dma_start3A_424 : memref<4x128xi32, #tpu.memory_space<vmem>>) target_semaphore(%run_scoped3A : memref<!tpu.dma_semaphore, #tpu.memory_space<semaphore_mem>>)
      %dma_wait3A_427 = arith.constant 12 : i32
      %dma_wait3A_428 = arith.constant 0 : i32
      %dma_wait3A_429 = tpu.memref_slice %arg11[%dma_wait3A_427, %dma_wait3A_428] : memref<20x128xi32, #tpu.memory_space<vmem>> -> memref<4x128xi32, #tpu.memory_space<vmem>>
      %dma_wait3A_430 = arith.constant 0 : i32
      %dma_wait3A_431 = tpu.memref_slice %arg4[%add3A_16, %dma_wait3A_430] : memref<512x128xi32, #tpu.memory_space<hbm>> -> memref<4x128xi32, #tpu.memory_space<hbm>>
      %dma_wait3A_432 = arith.constant 12 : i32
      %dma_wait3A_433 = arith.constant 0 : i32
      %dma_wait3A_434 = tpu.memref_slice %arg11[%dma_wait3A_432, %dma_wait3A_433] : memref<20x128xi32, #tpu.memory_space<vmem>> -> memref<4x128xi32, #tpu.memory_space<vmem>>
      %dma_wait3A_435 = arith.constant 0 : i32
      %dma_wait3A_436 = tpu.memref_slice %arg4[%add3A_16, %dma_wait3A_435] : memref<512x128xi32, #tpu.memory_space<hbm>> -> memref<4x128xi32, #tpu.memory_space<hbm>>
      tpu.wait_dma2 semaphore(%run_scoped3A : memref<!tpu.dma_semaphore, #tpu.memory_space<semaphore_mem>>) src(%dma_wait3A_436 : memref<4x128xi32, #tpu.memory_space<hbm>>) dst(%dma_wait3A_434 : memref<4x128xi32, #tpu.memory_space<vmem>>)
      tpu.yield
    }) : () -> ()
    %mul3A_17 = arith.constant 4 : i32
    %mul3A_18 = arith.muli %add3A, %mul3A_17 : i32
    "tpu.region"() ({
      %run_scoped3A = tpu.sem_alloc : memref<!tpu.dma_semaphore, #tpu.memory_space<semaphore_mem>>
      %dma_start3A_417 = arith.constant 16 : i32
      %dma_start3A_418 = arith.constant 0 : i32
      %dma_start3A_419 = tpu.memref_slice %arg11[%dma_start3A_417, %dma_start3A_418] : memref<20x128xi32, #tpu.memory_space<vmem>> -> memref<4x128xi32, #tpu.memory_space<vmem>>
      %dma_start3A_420 = arith.constant 0 : i32
      %dma_start3A_421 = tpu.memref_slice %arg5[%mul3A_18, %dma_start3A_420] : memref<128x128xi32, #tpu.memory_space<hbm>> -> memref<4x128xi32, #tpu.memory_space<hbm>>
      %dma_start3A_422 = arith.constant 16 : i32
      %dma_start3A_423 = arith.constant 0 : i32
      %dma_start3A_424 = tpu.memref_slice %arg11[%dma_start3A_422, %dma_start3A_423] : memref<20x128xi32, #tpu.memory_space<vmem>> -> memref<4x128xi32, #tpu.memory_space<vmem>>
      %dma_start3A_425 = arith.constant 0 : i32
      %dma_start3A_426 = tpu.memref_slice %arg5[%mul3A_18, %dma_start3A_425] : memref<128x128xi32, #tpu.memory_space<hbm>> -> memref<4x128xi32, #tpu.memory_space<hbm>>
      tpu.enqueue_dma source(%dma_start3A_426 : memref<4x128xi32, #tpu.memory_space<hbm>>) target(%dma_start3A_424 : memref<4x128xi32, #tpu.memory_space<vmem>>) target_semaphore(%run_scoped3A : memref<!tpu.dma_semaphore, #tpu.memory_space<semaphore_mem>>)
      %dma_wait3A_427 = arith.constant 16 : i32
      %dma_wait3A_428 = arith.constant 0 : i32
      %dma_wait3A_429 = tpu.memref_slice %arg11[%dma_wait3A_427, %dma_wait3A_428] : memref<20x128xi32, #tpu.memory_space<vmem>> -> memref<4x128xi32, #tpu.memory_space<vmem>>
      %dma_wait3A_430 = arith.constant 0 : i32
      %dma_wait3A_431 = tpu.memref_slice %arg5[%mul3A_18, %dma_wait3A_430] : memref<128x128xi32, #tpu.memory_space<hbm>> -> memref<4x128xi32, #tpu.memory_space<hbm>>
      %dma_wait3A_432 = arith.constant 16 : i32
      %dma_wait3A_433 = arith.constant 0 : i32
      %dma_wait3A_434 = tpu.memref_slice %arg11[%dma_wait3A_432, %dma_wait3A_433] : memref<20x128xi32, #tpu.memory_space<vmem>> -> memref<4x128xi32, #tpu.memory_space<vmem>>
      %dma_wait3A_435 = arith.constant 0 : i32
      %dma_wait3A_436 = tpu.memref_slice %arg5[%mul3A_18, %dma_wait3A_435] : memref<128x128xi32, #tpu.memory_space<hbm>> -> memref<4x128xi32, #tpu.memory_space<hbm>>
      tpu.wait_dma2 semaphore(%run_scoped3A : memref<!tpu.dma_semaphore, #tpu.memory_space<semaphore_mem>>) src(%dma_wait3A_436 : memref<4x128xi32, #tpu.memory_space<hbm>>) dst(%dma_wait3A_434 : memref<4x128xi32, #tpu.memory_space<vmem>>)
      tpu.yield
    }) : () -> ()
    %dma_start3A = arith.constant 0 : i32
    %dma_start3A_19 = arith.constant 0 : i32
    %dma_start3A_20 = tpu.memref_slice %arg11[%dma_start3A, %dma_start3A_19] : memref<20x128xi32, #tpu.memory_space<vmem>> -> memref<1x128xi32, #tpu.memory_space<vmem>>
    %dma_start3A_21 = tpu.memref_squeeze %dma_start3A_20 : memref<1x128xi32, #tpu.memory_space<vmem>> -> memref<128xi32, #tpu.memory_space<vmem>>
    %dma_start3A_22 = arith.constant 0 : i32
    %dma_start3A_23 = arith.constant 0 : i32
    %dma_start3A_24 = tpu.memref_slice %arg2[%dma_start3A_22, %dma_start3A_23] : memref<500000x128xf32, #tpu.memory_space<hbm>> -> memref<500000x128xf32, #tpu.memory_space<hbm>>
    tpu.enqueue_indirect_dma source(%dma_start3A_24 : memref<500000x128xf32, #tpu.memory_space<hbm>>) target(%arg12 : memref<128x128xf32, #tpu.memory_space<vmem>>) offsets(%dma_start3A_21 : memref<128xi32, #tpu.memory_space<vmem>>) semaphore(%arg14 : memref<!tpu.dma_semaphore, #tpu.memory_space<semaphore_mem>>)
    %dma_start3A_25 = arith.constant 1 : i32
    %dma_start3A_26 = arith.constant 0 : i32
    %dma_start3A_27 = tpu.memref_slice %arg11[%dma_start3A_25, %dma_start3A_26] : memref<20x128xi32, #tpu.memory_space<vmem>> -> memref<1x128xi32, #tpu.memory_space<vmem>>
    %dma_start3A_28 = tpu.memref_squeeze %dma_start3A_27 : memref<1x128xi32, #tpu.memory_space<vmem>> -> memref<128xi32, #tpu.memory_space<vmem>>
    %dma_start3A_29 = arith.constant 0 : i32
    %dma_start3A_30 = arith.constant 0 : i32
    %dma_start3A_31 = tpu.memref_slice %arg2[%dma_start3A_29, %dma_start3A_30] : memref<500000x128xf32, #tpu.memory_space<hbm>> -> memref<500000x128xf32, #tpu.memory_space<hbm>>
    tpu.enqueue_indirect_dma source(%dma_start3A_31 : memref<500000x128xf32, #tpu.memory_space<hbm>>) target(%arg13 : memref<128x128xf32, #tpu.memory_space<vmem>>) offsets(%dma_start3A_28 : memref<128xi32, #tpu.memory_space<vmem>>) semaphore(%arg15 : memref<!tpu.dma_semaphore, #tpu.memory_space<semaphore_mem>>)
    %dma_wait3A = arith.constant 0 : i32
    %dma_wait3A_32 = arith.constant 0 : i32
    %dma_wait3A_33 = tpu.memref_slice %arg11[%dma_wait3A, %dma_wait3A_32] : memref<20x128xi32, #tpu.memory_space<vmem>> -> memref<1x128xi32, #tpu.memory_space<vmem>>
    %dma_wait3A_34 = tpu.memref_squeeze %dma_wait3A_33 : memref<1x128xi32, #tpu.memory_space<vmem>> -> memref<128xi32, #tpu.memory_space<vmem>>
    %dma_wait3A_35 = arith.constant 0 : i32
    %dma_wait3A_36 = arith.constant 0 : i32
    %dma_wait3A_37 = tpu.memref_slice %arg2[%dma_wait3A_35, %dma_wait3A_36] : memref<500000x128xf32, #tpu.memory_space<hbm>> -> memref<500000x128xf32, #tpu.memory_space<hbm>>
    tpu.wait_indirect_dma semaphore(%arg14 : memref<!tpu.dma_semaphore, #tpu.memory_space<semaphore_mem>>) src(%dma_wait3A_37 : memref<500000x128xf32, #tpu.memory_space<hbm>>) dst(%arg12 : memref<128x128xf32, #tpu.memory_space<vmem>>)
    %mul3A_38 = arith.constant 4 : i32
    %mul3A_39 = arith.muli %add3A, %mul3A_38 : i32
    %add3A_40 = arith.constant 0 : i32
    %add3A_41 = arith.addi %mul3A_39, %add3A_40 : i32
    %mul3A_42 = arith.constant 128 : i32
    %mul3A_43 = arith.muli %add3A_41, %mul3A_42 : i32
    "tpu.region"() ({
      %run_scoped3A = tpu.sem_alloc : memref<!tpu.dma_semaphore, #tpu.memory_space<semaphore_mem>>
      %dma_start3A_417 = arith.constant 0 : i32
      %dma_start3A_418 = tpu.memref_slice %arg6[%mul3A_43, %dma_start3A_417] : memref<16384x128xf32, #tpu.memory_space<hbm>> -> memref<128x128xf32, #tpu.memory_space<hbm>>
      %dma_start3A_419 = arith.constant 0 : i32
      %dma_start3A_420 = tpu.memref_slice %arg6[%mul3A_43, %dma_start3A_419] : memref<16384x128xf32, #tpu.memory_space<hbm>> -> memref<128x128xf32, #tpu.memory_space<hbm>>
      tpu.enqueue_dma source(%arg12 : memref<128x128xf32, #tpu.memory_space<vmem>>) target(%dma_start3A_420 : memref<128x128xf32, #tpu.memory_space<hbm>>) target_semaphore(%run_scoped3A : memref<!tpu.dma_semaphore, #tpu.memory_space<semaphore_mem>>)
      %dma_wait3A_421 = arith.constant 0 : i32
      %dma_wait3A_422 = tpu.memref_slice %arg6[%mul3A_43, %dma_wait3A_421] : memref<16384x128xf32, #tpu.memory_space<hbm>> -> memref<128x128xf32, #tpu.memory_space<hbm>>
      %dma_wait3A_423 = arith.constant 0 : i32
      %dma_wait3A_424 = tpu.memref_slice %arg6[%mul3A_43, %dma_wait3A_423] : memref<16384x128xf32, #tpu.memory_space<hbm>> -> memref<128x128xf32, #tpu.memory_space<hbm>>
      tpu.wait_dma2 semaphore(%run_scoped3A : memref<!tpu.dma_semaphore, #tpu.memory_space<semaphore_mem>>) src(%arg12 : memref<128x128xf32, #tpu.memory_space<vmem>>) dst(%dma_wait3A_424 : memref<128x128xf32, #tpu.memory_space<hbm>>)
      tpu.yield
    }) : () -> ()
    %dma_start3A_44 = arith.constant 2 : i32
    %dma_start3A_45 = arith.constant 0 : i32
    %dma_start3A_46 = tpu.memref_slice %arg11[%dma_start3A_44, %dma_start3A_45] : memref<20x128xi32, #tpu.memory_space<vmem>> -> memref<1x128xi32, #tpu.memory_space<vmem>>
    %dma_start3A_47 = tpu.memref_squeeze %dma_start3A_46 : memref<1x128xi32, #tpu.memory_space<vmem>> -> memref<128xi32, #tpu.memory_space<vmem>>
    %dma_start3A_48 = arith.constant 0 : i32
    %dma_start3A_49 = arith.constant 0 : i32
    %dma_start3A_50 = tpu.memref_slice %arg2[%dma_start3A_48, %dma_start3A_49] : memref<500000x128xf32, #tpu.memory_space<hbm>> -> memref<500000x128xf32, #tpu.memory_space<hbm>>
    tpu.enqueue_indirect_dma source(%dma_start3A_50 : memref<500000x128xf32, #tpu.memory_space<hbm>>) target(%arg12 : memref<128x128xf32, #tpu.memory_space<vmem>>) offsets(%dma_start3A_47 : memref<128xi32, #tpu.memory_space<vmem>>) semaphore(%arg14 : memref<!tpu.dma_semaphore, #tpu.memory_space<semaphore_mem>>)
    %dma_wait3A_51 = arith.constant 1 : i32
    %dma_wait3A_52 = arith.constant 0 : i32
    %dma_wait3A_53 = tpu.memref_slice %arg11[%dma_wait3A_51, %dma_wait3A_52] : memref<20x128xi32, #tpu.memory_space<vmem>> -> memref<1x128xi32, #tpu.memory_space<vmem>>
    %dma_wait3A_54 = tpu.memref_squeeze %dma_wait3A_53 : memref<1x128xi32, #tpu.memory_space<vmem>> -> memref<128xi32, #tpu.memory_space<vmem>>
    %dma_wait3A_55 = arith.constant 0 : i32
    %dma_wait3A_56 = arith.constant 0 : i32
    %dma_wait3A_57 = tpu.memref_slice %arg2[%dma_wait3A_55, %dma_wait3A_56] : memref<500000x128xf32, #tpu.memory_space<hbm>> -> memref<500000x128xf32, #tpu.memory_space<hbm>>
    tpu.wait_indirect_dma semaphore(%arg15 : memref<!tpu.dma_semaphore, #tpu.memory_space<semaphore_mem>>) src(%dma_wait3A_57 : memref<500000x128xf32, #tpu.memory_space<hbm>>) dst(%arg13 : memref<128x128xf32, #tpu.memory_space<vmem>>)
    %mul3A_58 = arith.constant 4 : i32
    %mul3A_59 = arith.muli %add3A, %mul3A_58 : i32
    %add3A_60 = arith.constant 1 : i32
    %add3A_61 = arith.addi %mul3A_59, %add3A_60 : i32
    %mul3A_62 = arith.constant 128 : i32
    %mul3A_63 = arith.muli %add3A_61, %mul3A_62 : i32
    "tpu.region"() ({
      %run_scoped3A = tpu.sem_alloc : memref<!tpu.dma_semaphore, #tpu.memory_space<semaphore_mem>>
      %dma_start3A_417 = arith.constant 0 : i32
      %dma_start3A_418 = tpu.memref_slice %arg6[%mul3A_63, %dma_start3A_417] : memref<16384x128xf32, #tpu.memory_space<hbm>> -> memref<128x128xf32, #tpu.memory_space<hbm>>
      %dma_start3A_419 = arith.constant 0 : i32
      %dma_start3A_420 = tpu.memref_slice %arg6[%mul3A_63, %dma_start3A_419] : memref<16384x128xf32, #tpu.memory_space<hbm>> -> memref<128x128xf32, #tpu.memory_space<hbm>>
      tpu.enqueue_dma source(%arg13 : memref<128x128xf32, #tpu.memory_space<vmem>>) target(%dma_start3A_420 : memref<128x128xf32, #tpu.memory_space<hbm>>) target_semaphore(%run_scoped3A : memref<!tpu.dma_semaphore, #tpu.memory_space<semaphore_mem>>)
      %dma_wait3A_421 = arith.constant 0 : i32
      %dma_wait3A_422 = tpu.memref_slice %arg6[%mul3A_63, %dma_wait3A_421] : memref<16384x128xf32, #tpu.memory_space<hbm>> -> memref<128x128xf32, #tpu.memory_space<hbm>>
      %dma_wait3A_423 = arith.constant 0 : i32
      %dma_wait3A_424 = tpu.memref_slice %arg6[%mul3A_63, %dma_wait3A_423] : memref<16384x128xf32, #tpu.memory_space<hbm>> -> memref<128x128xf32, #tpu.memory_space<hbm>>
      tpu.wait_dma2 semaphore(%run_scoped3A : memref<!tpu.dma_semaphore, #tpu.memory_space<semaphore_mem>>) src(%arg13 : memref<128x128xf32, #tpu.memory_space<vmem>>) dst(%dma_wait3A_424 : memref<128x128xf32, #tpu.memory_space<hbm>>)
      tpu.yield
    }) : () -> ()
    %dma_start3A_64 = arith.constant 3 : i32
    %dma_start3A_65 = arith.constant 0 : i32
    %dma_start3A_66 = tpu.memref_slice %arg11[%dma_start3A_64, %dma_start3A_65] : memref<20x128xi32, #tpu.memory_space<vmem>> -> memref<1x128xi32, #tpu.memory_space<vmem>>
    %dma_start3A_67 = tpu.memref_squeeze %dma_start3A_66 : memref<1x128xi32, #tpu.memory_space<vmem>> -> memref<128xi32, #tpu.memory_space<vmem>>
    %dma_start3A_68 = arith.constant 0 : i32
    %dma_start3A_69 = arith.constant 0 : i32
    %dma_start3A_70 = tpu.memref_slice %arg2[%dma_start3A_68, %dma_start3A_69] : memref<500000x128xf32, #tpu.memory_space<hbm>> -> memref<500000x128xf32, #tpu.memory_space<hbm>>
    tpu.enqueue_indirect_dma source(%dma_start3A_70 : memref<500000x128xf32, #tpu.memory_space<hbm>>) target(%arg13 : memref<128x128xf32, #tpu.memory_space<vmem>>) offsets(%dma_start3A_67 : memref<128xi32, #tpu.memory_space<vmem>>) semaphore(%arg15 : memref<!tpu.dma_semaphore, #tpu.memory_space<semaphore_mem>>)
    %dma_wait3A_71 = arith.constant 2 : i32
    %dma_wait3A_72 = arith.constant 0 : i32
    %dma_wait3A_73 = tpu.memref_slice %arg11[%dma_wait3A_71, %dma_wait3A_72] : memref<20x128xi32, #tpu.memory_space<vmem>> -> memref<1x128xi32, #tpu.memory_space<vmem>>
    %dma_wait3A_74 = tpu.memref_squeeze %dma_wait3A_73 : memref<1x128xi32, #tpu.memory_space<vmem>> -> memref<128xi32, #tpu.memory_space<vmem>>
    %dma_wait3A_75 = arith.constant 0 : i32
    %dma_wait3A_76 = arith.constant 0 : i32
    %dma_wait3A_77 = tpu.memref_slice %arg2[%dma_wait3A_75, %dma_wait3A_76] : memref<500000x128xf32, #tpu.memory_space<hbm>> -> memref<500000x128xf32, #tpu.memory_space<hbm>>
    tpu.wait_indirect_dma semaphore(%arg14 : memref<!tpu.dma_semaphore, #tpu.memory_space<semaphore_mem>>) src(%dma_wait3A_77 : memref<500000x128xf32, #tpu.memory_space<hbm>>) dst(%arg12 : memref<128x128xf32, #tpu.memory_space<vmem>>)
    %mul3A_78 = arith.constant 4 : i32
    %mul3A_79 = arith.muli %add3A, %mul3A_78 : i32
    %add3A_80 = arith.constant 2 : i32
    %add3A_81 = arith.addi %mul3A_79, %add3A_80 : i32
    %mul3A_82 = arith.constant 128 : i32
    %mul3A_83 = arith.muli %add3A_81, %mul3A_82 : i32
    "tpu.region"() ({
      %run_scoped3A = tpu.sem_alloc : memref<!tpu.dma_semaphore, #tpu.memory_space<semaphore_mem>>
      %dma_start3A_417 = arith.constant 0 : i32
      %dma_start3A_418 = tpu.memref_slice %arg6[%mul3A_83, %dma_start3A_417] : memref<16384x128xf32, #tpu.memory_space<hbm>> -> memref<128x128xf32, #tpu.memory_space<hbm>>
      %dma_start3A_419 = arith.constant 0 : i32
      %dma_start3A_420 = tpu.memref_slice %arg6[%mul3A_83, %dma_start3A_419] : memref<16384x128xf32, #tpu.memory_space<hbm>> -> memref<128x128xf32, #tpu.memory_space<hbm>>
      tpu.enqueue_dma source(%arg12 : memref<128x128xf32, #tpu.memory_space<vmem>>) target(%dma_start3A_420 : memref<128x128xf32, #tpu.memory_space<hbm>>) target_semaphore(%run_scoped3A : memref<!tpu.dma_semaphore, #tpu.memory_space<semaphore_mem>>)
      %dma_wait3A_421 = arith.constant 0 : i32
      %dma_wait3A_422 = tpu.memref_slice %arg6[%mul3A_83, %dma_wait3A_421] : memref<16384x128xf32, #tpu.memory_space<hbm>> -> memref<128x128xf32, #tpu.memory_space<hbm>>
      %dma_wait3A_423 = arith.constant 0 : i32
      %dma_wait3A_424 = tpu.memref_slice %arg6[%mul3A_83, %dma_wait3A_423] : memref<16384x128xf32, #tpu.memory_space<hbm>> -> memref<128x128xf32, #tpu.memory_space<hbm>>
      tpu.wait_dma2 semaphore(%run_scoped3A : memref<!tpu.dma_semaphore, #tpu.memory_space<semaphore_mem>>) src(%arg12 : memref<128x128xf32, #tpu.memory_space<vmem>>) dst(%dma_wait3A_424 : memref<128x128xf32, #tpu.memory_space<hbm>>)
      tpu.yield
    }) : () -> ()
    %dma_start3A_84 = arith.constant 4 : i32
    %dma_start3A_85 = arith.constant 0 : i32
    %dma_start3A_86 = tpu.memref_slice %arg11[%dma_start3A_84, %dma_start3A_85] : memref<20x128xi32, #tpu.memory_space<vmem>> -> memref<1x128xi32, #tpu.memory_space<vmem>>
    %dma_start3A_87 = tpu.memref_squeeze %dma_start3A_86 : memref<1x128xi32, #tpu.memory_space<vmem>> -> memref<128xi32, #tpu.memory_space<vmem>>
    %dma_start3A_88 = arith.constant 0 : i32
    %dma_start3A_89 = arith.constant 0 : i32
    %dma_start3A_90 = tpu.memref_slice %arg2[%dma_start3A_88, %dma_start3A_89] : memref<500000x128xf32, #tpu.memory_space<hbm>> -> memref<500000x128xf32, #tpu.memory_space<hbm>>
    tpu.enqueue_indirect_dma source(%dma_start3A_90 : memref<500000x128xf32, #tpu.memory_space<hbm>>) target(%arg12 : memref<128x128xf32, #tpu.memory_space<vmem>>) offsets(%dma_start3A_87 : memref<128xi32, #tpu.memory_space<vmem>>) semaphore(%arg14 : memref<!tpu.dma_semaphore, #tpu.memory_space<semaphore_mem>>)
    %dma_wait3A_91 = arith.constant 3 : i32
    %dma_wait3A_92 = arith.constant 0 : i32
    %dma_wait3A_93 = tpu.memref_slice %arg11[%dma_wait3A_91, %dma_wait3A_92] : memref<20x128xi32, #tpu.memory_space<vmem>> -> memref<1x128xi32, #tpu.memory_space<vmem>>
    %dma_wait3A_94 = tpu.memref_squeeze %dma_wait3A_93 : memref<1x128xi32, #tpu.memory_space<vmem>> -> memref<128xi32, #tpu.memory_space<vmem>>
    %dma_wait3A_95 = arith.constant 0 : i32
    %dma_wait3A_96 = arith.constant 0 : i32
    %dma_wait3A_97 = tpu.memref_slice %arg2[%dma_wait3A_95, %dma_wait3A_96] : memref<500000x128xf32, #tpu.memory_space<hbm>> -> memref<500000x128xf32, #tpu.memory_space<hbm>>
    tpu.wait_indirect_dma semaphore(%arg15 : memref<!tpu.dma_semaphore, #tpu.memory_space<semaphore_mem>>) src(%dma_wait3A_97 : memref<500000x128xf32, #tpu.memory_space<hbm>>) dst(%arg13 : memref<128x128xf32, #tpu.memory_space<vmem>>)
    %mul3A_98 = arith.constant 4 : i32
    %mul3A_99 = arith.muli %add3A, %mul3A_98 : i32
    %add3A_100 = arith.constant 3 : i32
    %add3A_101 = arith.addi %mul3A_99, %add3A_100 : i32
    %mul3A_102 = arith.constant 128 : i32
    %mul3A_103 = arith.muli %add3A_101, %mul3A_102 : i32
    "tpu.region"() ({
      %run_scoped3A = tpu.sem_alloc : memref<!tpu.dma_semaphore, #tpu.memory_space<semaphore_mem>>
      %dma_start3A_417 = arith.constant 0 : i32
      %dma_start3A_418 = tpu.memref_slice %arg6[%mul3A_103, %dma_start3A_417] : memref<16384x128xf32, #tpu.memory_space<hbm>> -> memref<128x128xf32, #tpu.memory_space<hbm>>
      %dma_start3A_419 = arith.constant 0 : i32
      %dma_start3A_420 = tpu.memref_slice %arg6[%mul3A_103, %dma_start3A_419] : memref<16384x128xf32, #tpu.memory_space<hbm>> -> memref<128x128xf32, #tpu.memory_space<hbm>>
      tpu.enqueue_dma source(%arg13 : memref<128x128xf32, #tpu.memory_space<vmem>>) target(%dma_start3A_420 : memref<128x128xf32, #tpu.memory_space<hbm>>) target_semaphore(%run_scoped3A : memref<!tpu.dma_semaphore, #tpu.memory_space<semaphore_mem>>)
      %dma_wait3A_421 = arith.constant 0 : i32
      %dma_wait3A_422 = tpu.memref_slice %arg6[%mul3A_103, %dma_wait3A_421] : memref<16384x128xf32, #tpu.memory_space<hbm>> -> memref<128x128xf32, #tpu.memory_space<hbm>>
      %dma_wait3A_423 = arith.constant 0 : i32
      %dma_wait3A_424 = tpu.memref_slice %arg6[%mul3A_103, %dma_wait3A_423] : memref<16384x128xf32, #tpu.memory_space<hbm>> -> memref<128x128xf32, #tpu.memory_space<hbm>>
      tpu.wait_dma2 semaphore(%run_scoped3A : memref<!tpu.dma_semaphore, #tpu.memory_space<semaphore_mem>>) src(%arg13 : memref<128x128xf32, #tpu.memory_space<vmem>>) dst(%dma_wait3A_424 : memref<128x128xf32, #tpu.memory_space<hbm>>)
      tpu.yield
    }) : () -> ()
    %dma_start3A_104 = arith.constant 5 : i32
    %dma_start3A_105 = arith.constant 0 : i32
    %dma_start3A_106 = tpu.memref_slice %arg11[%dma_start3A_104, %dma_start3A_105] : memref<20x128xi32, #tpu.memory_space<vmem>> -> memref<1x128xi32, #tpu.memory_space<vmem>>
    %dma_start3A_107 = tpu.memref_squeeze %dma_start3A_106 : memref<1x128xi32, #tpu.memory_space<vmem>> -> memref<128xi32, #tpu.memory_space<vmem>>
    %dma_start3A_108 = arith.constant 0 : i32
    %dma_start3A_109 = arith.constant 0 : i32
    %dma_start3A_110 = tpu.memref_slice %arg2[%dma_start3A_108, %dma_start3A_109] : memref<500000x128xf32, #tpu.memory_space<hbm>> -> memref<500000x128xf32, #tpu.memory_space<hbm>>
    tpu.enqueue_indirect_dma source(%dma_start3A_110 : memref<500000x128xf32, #tpu.memory_space<hbm>>) target(%arg13 : memref<128x128xf32, #tpu.memory_space<vmem>>) offsets(%dma_start3A_107 : memref<128xi32, #tpu.memory_space<vmem>>) semaphore(%arg15 : memref<!tpu.dma_semaphore, #tpu.memory_space<semaphore_mem>>)
    %dma_wait3A_111 = arith.constant 4 : i32
    %dma_wait3A_112 = arith.constant 0 : i32
    %dma_wait3A_113 = tpu.memref_slice %arg11[%dma_wait3A_111, %dma_wait3A_112] : memref<20x128xi32, #tpu.memory_space<vmem>> -> memref<1x128xi32, #tpu.memory_space<vmem>>
    %dma_wait3A_114 = tpu.memref_squeeze %dma_wait3A_113 : memref<1x128xi32, #tpu.memory_space<vmem>> -> memref<128xi32, #tpu.memory_space<vmem>>
    %dma_wait3A_115 = arith.constant 0 : i32
    %dma_wait3A_116 = arith.constant 0 : i32
    %dma_wait3A_117 = tpu.memref_slice %arg2[%dma_wait3A_115, %dma_wait3A_116] : memref<500000x128xf32, #tpu.memory_space<hbm>> -> memref<500000x128xf32, #tpu.memory_space<hbm>>
    tpu.wait_indirect_dma semaphore(%arg14 : memref<!tpu.dma_semaphore, #tpu.memory_space<semaphore_mem>>) src(%dma_wait3A_117 : memref<500000x128xf32, #tpu.memory_space<hbm>>) dst(%arg12 : memref<128x128xf32, #tpu.memory_space<vmem>>)
    %mul3A_118 = arith.constant 4 : i32
    %mul3A_119 = arith.muli %add3A, %mul3A_118 : i32
    %add3A_120 = arith.constant 0 : i32
    %add3A_121 = arith.addi %mul3A_119, %add3A_120 : i32
    %mul3A_122 = arith.constant 128 : i32
    %mul3A_123 = arith.muli %add3A_121, %mul3A_122 : i32
    "tpu.region"() ({
      %run_scoped3A = tpu.sem_alloc : memref<!tpu.dma_semaphore, #tpu.memory_space<semaphore_mem>>
      %dma_start3A_417 = arith.constant 0 : i32
      %dma_start3A_418 = tpu.memref_slice %arg7[%mul3A_123, %dma_start3A_417] : memref<16384x128xf32, #tpu.memory_space<hbm>> -> memref<128x128xf32, #tpu.memory_space<hbm>>
      %dma_start3A_419 = arith.constant 0 : i32
      %dma_start3A_420 = tpu.memref_slice %arg7[%mul3A_123, %dma_start3A_419] : memref<16384x128xf32, #tpu.memory_space<hbm>> -> memref<128x128xf32, #tpu.memory_space<hbm>>
      tpu.enqueue_dma source(%arg12 : memref<128x128xf32, #tpu.memory_space<vmem>>) target(%dma_start3A_420 : memref<128x128xf32, #tpu.memory_space<hbm>>) target_semaphore(%run_scoped3A : memref<!tpu.dma_semaphore, #tpu.memory_space<semaphore_mem>>)
      %dma_wait3A_421 = arith.constant 0 : i32
      %dma_wait3A_422 = tpu.memref_slice %arg7[%mul3A_123, %dma_wait3A_421] : memref<16384x128xf32, #tpu.memory_space<hbm>> -> memref<128x128xf32, #tpu.memory_space<hbm>>
      %dma_wait3A_423 = arith.constant 0 : i32
      %dma_wait3A_424 = tpu.memref_slice %arg7[%mul3A_123, %dma_wait3A_423] : memref<16384x128xf32, #tpu.memory_space<hbm>> -> memref<128x128xf32, #tpu.memory_space<hbm>>
      tpu.wait_dma2 semaphore(%run_scoped3A : memref<!tpu.dma_semaphore, #tpu.memory_space<semaphore_mem>>) src(%arg12 : memref<128x128xf32, #tpu.memory_space<vmem>>) dst(%dma_wait3A_424 : memref<128x128xf32, #tpu.memory_space<hbm>>)
      tpu.yield
    }) : () -> ()
    %dma_start3A_124 = arith.constant 6 : i32
    %dma_start3A_125 = arith.constant 0 : i32
    %dma_start3A_126 = tpu.memref_slice %arg11[%dma_start3A_124, %dma_start3A_125] : memref<20x128xi32, #tpu.memory_space<vmem>> -> memref<1x128xi32, #tpu.memory_space<vmem>>
    %dma_start3A_127 = tpu.memref_squeeze %dma_start3A_126 : memref<1x128xi32, #tpu.memory_space<vmem>> -> memref<128xi32, #tpu.memory_space<vmem>>
    %dma_start3A_128 = arith.constant 0 : i32
    %dma_start3A_129 = arith.constant 0 : i32
    %dma_start3A_130 = tpu.memref_slice %arg2[%dma_start3A_128, %dma_start3A_129] : memref<500000x128xf32, #tpu.memory_space<hbm>> -> memref<500000x128xf32, #tpu.memory_space<hbm>>
    tpu.enqueue_indirect_dma source(%dma_start3A_130 : memref<500000x128xf32, #tpu.memory_space<hbm>>) target(%arg12 : memref<128x128xf32, #tpu.memory_space<vmem>>) offsets(%dma_start3A_127 : memref<128xi32, #tpu.memory_space<vmem>>) semaphore(%arg14 : memref<!tpu.dma_semaphore, #tpu.memory_space<semaphore_mem>>)
    %dma_wait3A_131 = arith.constant 5 : i32
    %dma_wait3A_132 = arith.constant 0 : i32
    %dma_wait3A_133 = tpu.memref_slice %arg11[%dma_wait3A_131, %dma_wait3A_132] : memref<20x128xi32, #tpu.memory_space<vmem>> -> memref<1x128xi32, #tpu.memory_space<vmem>>
    %dma_wait3A_134 = tpu.memref_squeeze %dma_wait3A_133 : memref<1x128xi32, #tpu.memory_space<vmem>> -> memref<128xi32, #tpu.memory_space<vmem>>
    %dma_wait3A_135 = arith.constant 0 : i32
    %dma_wait3A_136 = arith.constant 0 : i32
    %dma_wait3A_137 = tpu.memref_slice %arg2[%dma_wait3A_135, %dma_wait3A_136] : memref<500000x128xf32, #tpu.memory_space<hbm>> -> memref<500000x128xf32, #tpu.memory_space<hbm>>
    tpu.wait_indirect_dma semaphore(%arg15 : memref<!tpu.dma_semaphore, #tpu.memory_space<semaphore_mem>>) src(%dma_wait3A_137 : memref<500000x128xf32, #tpu.memory_space<hbm>>) dst(%arg13 : memref<128x128xf32, #tpu.memory_space<vmem>>)
    %mul3A_138 = arith.constant 4 : i32
    %mul3A_139 = arith.muli %add3A, %mul3A_138 : i32
    %add3A_140 = arith.constant 1 : i32
    %add3A_141 = arith.addi %mul3A_139, %add3A_140 : i32
    %mul3A_142 = arith.constant 128 : i32
    %mul3A_143 = arith.muli %add3A_141, %mul3A_142 : i32
    "tpu.region"() ({
      %run_scoped3A = tpu.sem_alloc : memref<!tpu.dma_semaphore, #tpu.memory_space<semaphore_mem>>
      %dma_start3A_417 = arith.constant 0 : i32
      %dma_start3A_418 = tpu.memref_slice %arg7[%mul3A_143, %dma_start3A_417] : memref<16384x128xf32, #tpu.memory_space<hbm>> -> memref<128x128xf32, #tpu.memory_space<hbm>>
      %dma_start3A_419 = arith.constant 0 : i32
      %dma_start3A_420 = tpu.memref_slice %arg7[%mul3A_143, %dma_start3A_419] : memref<16384x128xf32, #tpu.memory_space<hbm>> -> memref<128x128xf32, #tpu.memory_space<hbm>>
      tpu.enqueue_dma source(%arg13 : memref<128x128xf32, #tpu.memory_space<vmem>>) target(%dma_start3A_420 : memref<128x128xf32, #tpu.memory_space<hbm>>) target_semaphore(%run_scoped3A : memref<!tpu.dma_semaphore, #tpu.memory_space<semaphore_mem>>)
      %dma_wait3A_421 = arith.constant 0 : i32
      %dma_wait3A_422 = tpu.memref_slice %arg7[%mul3A_143, %dma_wait3A_421] : memref<16384x128xf32, #tpu.memory_space<hbm>> -> memref<128x128xf32, #tpu.memory_space<hbm>>
      %dma_wait3A_423 = arith.constant 0 : i32
      %dma_wait3A_424 = tpu.memref_slice %arg7[%mul3A_143, %dma_wait3A_423] : memref<16384x128xf32, #tpu.memory_space<hbm>> -> memref<128x128xf32, #tpu.memory_space<hbm>>
      tpu.wait_dma2 semaphore(%run_scoped3A : memref<!tpu.dma_semaphore, #tpu.memory_space<semaphore_mem>>) src(%arg13 : memref<128x128xf32, #tpu.memory_space<vmem>>) dst(%dma_wait3A_424 : memref<128x128xf32, #tpu.memory_space<hbm>>)
      tpu.yield
    }) : () -> ()
    %dma_start3A_144 = arith.constant 7 : i32
    %dma_start3A_145 = arith.constant 0 : i32
    %dma_start3A_146 = tpu.memref_slice %arg11[%dma_start3A_144, %dma_start3A_145] : memref<20x128xi32, #tpu.memory_space<vmem>> -> memref<1x128xi32, #tpu.memory_space<vmem>>
    %dma_start3A_147 = tpu.memref_squeeze %dma_start3A_146 : memref<1x128xi32, #tpu.memory_space<vmem>> -> memref<128xi32, #tpu.memory_space<vmem>>
    %dma_start3A_148 = arith.constant 0 : i32
    %dma_start3A_149 = arith.constant 0 : i32
    %dma_start3A_150 = tpu.memref_slice %arg2[%dma_start3A_148, %dma_start3A_149] : memref<500000x128xf32, #tpu.memory_space<hbm>> -> memref<500000x128xf32, #tpu.memory_space<hbm>>
    tpu.enqueue_indirect_dma source(%dma_start3A_150 : memref<500000x128xf32, #tpu.memory_space<hbm>>) target(%arg13 : memref<128x128xf32, #tpu.memory_space<vmem>>) offsets(%dma_start3A_147 : memref<128xi32, #tpu.memory_space<vmem>>) semaphore(%arg15 : memref<!tpu.dma_semaphore, #tpu.memory_space<semaphore_mem>>)
    %dma_wait3A_151 = arith.constant 6 : i32
    %dma_wait3A_152 = arith.constant 0 : i32
    %dma_wait3A_153 = tpu.memref_slice %arg11[%dma_wait3A_151, %dma_wait3A_152] : memref<20x128xi32, #tpu.memory_space<vmem>> -> memref<1x128xi32, #tpu.memory_space<vmem>>
    %dma_wait3A_154 = tpu.memref_squeeze %dma_wait3A_153 : memref<1x128xi32, #tpu.memory_space<vmem>> -> memref<128xi32, #tpu.memory_space<vmem>>
    %dma_wait3A_155 = arith.constant 0 : i32
    %dma_wait3A_156 = arith.constant 0 : i32
    %dma_wait3A_157 = tpu.memref_slice %arg2[%dma_wait3A_155, %dma_wait3A_156] : memref<500000x128xf32, #tpu.memory_space<hbm>> -> memref<500000x128xf32, #tpu.memory_space<hbm>>
    tpu.wait_indirect_dma semaphore(%arg14 : memref<!tpu.dma_semaphore, #tpu.memory_space<semaphore_mem>>) src(%dma_wait3A_157 : memref<500000x128xf32, #tpu.memory_space<hbm>>) dst(%arg12 : memref<128x128xf32, #tpu.memory_space<vmem>>)
    %mul3A_158 = arith.constant 4 : i32
    %mul3A_159 = arith.muli %add3A, %mul3A_158 : i32
    %add3A_160 = arith.constant 2 : i32
    %add3A_161 = arith.addi %mul3A_159, %add3A_160 : i32
    %mul3A_162 = arith.constant 128 : i32
    %mul3A_163 = arith.muli %add3A_161, %mul3A_162 : i32
    "tpu.region"() ({
      %run_scoped3A = tpu.sem_alloc : memref<!tpu.dma_semaphore, #tpu.memory_space<semaphore_mem>>
      %dma_start3A_417 = arith.constant 0 : i32
      %dma_start3A_418 = tpu.memref_slice %arg7[%mul3A_163, %dma_start3A_417] : memref<16384x128xf32, #tpu.memory_space<hbm>> -> memref<128x128xf32, #tpu.memory_space<hbm>>
      %dma_start3A_419 = arith.constant 0 : i32
      %dma_start3A_420 = tpu.memref_slice %arg7[%mul3A_163, %dma_start3A_419] : memref<16384x128xf32, #tpu.memory_space<hbm>> -> memref<128x128xf32, #tpu.memory_space<hbm>>
      tpu.enqueue_dma source(%arg12 : memref<128x128xf32, #tpu.memory_space<vmem>>) target(%dma_start3A_420 : memref<128x128xf32, #tpu.memory_space<hbm>>) target_semaphore(%run_scoped3A : memref<!tpu.dma_semaphore, #tpu.memory_space<semaphore_mem>>)
      %dma_wait3A_421 = arith.constant 0 : i32
      %dma_wait3A_422 = tpu.memref_slice %arg7[%mul3A_163, %dma_wait3A_421] : memref<16384x128xf32, #tpu.memory_space<hbm>> -> memref<128x128xf32, #tpu.memory_space<hbm>>
      %dma_wait3A_423 = arith.constant 0 : i32
      %dma_wait3A_424 = tpu.memref_slice %arg7[%mul3A_163, %dma_wait3A_423] : memref<16384x128xf32, #tpu.memory_space<hbm>> -> memref<128x128xf32, #tpu.memory_space<hbm>>
      tpu.wait_dma2 semaphore(%run_scoped3A : memref<!tpu.dma_semaphore, #tpu.memory_space<semaphore_mem>>) src(%arg12 : memref<128x128xf32, #tpu.memory_space<vmem>>) dst(%dma_wait3A_424 : memref<128x128xf32, #tpu.memory_space<hbm>>)
      tpu.yield
    }) : () -> ()
    %dma_start3A_164 = arith.constant 8 : i32
    %dma_start3A_165 = arith.constant 0 : i32
    %dma_start3A_166 = tpu.memref_slice %arg11[%dma_start3A_164, %dma_start3A_165] : memref<20x128xi32, #tpu.memory_space<vmem>> -> memref<1x128xi32, #tpu.memory_space<vmem>>
    %dma_start3A_167 = tpu.memref_squeeze %dma_start3A_166 : memref<1x128xi32, #tpu.memory_space<vmem>> -> memref<128xi32, #tpu.memory_space<vmem>>
    %dma_start3A_168 = arith.constant 0 : i32
    %dma_start3A_169 = arith.constant 0 : i32
    %dma_start3A_170 = tpu.memref_slice %arg2[%dma_start3A_168, %dma_start3A_169] : memref<500000x128xf32, #tpu.memory_space<hbm>> -> memref<500000x128xf32, #tpu.memory_space<hbm>>
    tpu.enqueue_indirect_dma source(%dma_start3A_170 : memref<500000x128xf32, #tpu.memory_space<hbm>>) target(%arg12 : memref<128x128xf32, #tpu.memory_space<vmem>>) offsets(%dma_start3A_167 : memref<128xi32, #tpu.memory_space<vmem>>) semaphore(%arg14 : memref<!tpu.dma_semaphore, #tpu.memory_space<semaphore_mem>>)
    %dma_wait3A_171 = arith.constant 7 : i32
    %dma_wait3A_172 = arith.constant 0 : i32
    %dma_wait3A_173 = tpu.memref_slice %arg11[%dma_wait3A_171, %dma_wait3A_172] : memref<20x128xi32, #tpu.memory_space<vmem>> -> memref<1x128xi32, #tpu.memory_space<vmem>>
    %dma_wait3A_174 = tpu.memref_squeeze %dma_wait3A_173 : memref<1x128xi32, #tpu.memory_space<vmem>> -> memref<128xi32, #tpu.memory_space<vmem>>
    %dma_wait3A_175 = arith.constant 0 : i32
    %dma_wait3A_176 = arith.constant 0 : i32
    %dma_wait3A_177 = tpu.memref_slice %arg2[%dma_wait3A_175, %dma_wait3A_176] : memref<500000x128xf32, #tpu.memory_space<hbm>> -> memref<500000x128xf32, #tpu.memory_space<hbm>>
    tpu.wait_indirect_dma semaphore(%arg15 : memref<!tpu.dma_semaphore, #tpu.memory_space<semaphore_mem>>) src(%dma_wait3A_177 : memref<500000x128xf32, #tpu.memory_space<hbm>>) dst(%arg13 : memref<128x128xf32, #tpu.memory_space<vmem>>)
    %mul3A_178 = arith.constant 4 : i32
    %mul3A_179 = arith.muli %add3A, %mul3A_178 : i32
    %add3A_180 = arith.constant 3 : i32
    %add3A_181 = arith.addi %mul3A_179, %add3A_180 : i32
    %mul3A_182 = arith.constant 128 : i32
    %mul3A_183 = arith.muli %add3A_181, %mul3A_182 : i32
    "tpu.region"() ({
      %run_scoped3A = tpu.sem_alloc : memref<!tpu.dma_semaphore, #tpu.memory_space<semaphore_mem>>
      %dma_start3A_417 = arith.constant 0 : i32
      %dma_start3A_418 = tpu.memref_slice %arg7[%mul3A_183, %dma_start3A_417] : memref<16384x128xf32, #tpu.memory_space<hbm>> -> memref<128x128xf32, #tpu.memory_space<hbm>>
      %dma_start3A_419 = arith.constant 0 : i32
      %dma_start3A_420 = tpu.memref_slice %arg7[%mul3A_183, %dma_start3A_419] : memref<16384x128xf32, #tpu.memory_space<hbm>> -> memref<128x128xf32, #tpu.memory_space<hbm>>
      tpu.enqueue_dma source(%arg13 : memref<128x128xf32, #tpu.memory_space<vmem>>) target(%dma_start3A_420 : memref<128x128xf32, #tpu.memory_space<hbm>>) target_semaphore(%run_scoped3A : memref<!tpu.dma_semaphore, #tpu.memory_space<semaphore_mem>>)
      %dma_wait3A_421 = arith.constant 0 : i32
      %dma_wait3A_422 = tpu.memref_slice %arg7[%mul3A_183, %dma_wait3A_421] : memref<16384x128xf32, #tpu.memory_space<hbm>> -> memref<128x128xf32, #tpu.memory_space<hbm>>
      %dma_wait3A_423 = arith.constant 0 : i32
      %dma_wait3A_424 = tpu.memref_slice %arg7[%mul3A_183, %dma_wait3A_423] : memref<16384x128xf32, #tpu.memory_space<hbm>> -> memref<128x128xf32, #tpu.memory_space<hbm>>
      tpu.wait_dma2 semaphore(%run_scoped3A : memref<!tpu.dma_semaphore, #tpu.memory_space<semaphore_mem>>) src(%arg13 : memref<128x128xf32, #tpu.memory_space<vmem>>) dst(%dma_wait3A_424 : memref<128x128xf32, #tpu.memory_space<hbm>>)
      tpu.yield
    }) : () -> ()
    %dma_start3A_184 = arith.constant 9 : i32
    %dma_start3A_185 = arith.constant 0 : i32
    %dma_start3A_186 = tpu.memref_slice %arg11[%dma_start3A_184, %dma_start3A_185] : memref<20x128xi32, #tpu.memory_space<vmem>> -> memref<1x128xi32, #tpu.memory_space<vmem>>
    %dma_start3A_187 = tpu.memref_squeeze %dma_start3A_186 : memref<1x128xi32, #tpu.memory_space<vmem>> -> memref<128xi32, #tpu.memory_space<vmem>>
    %dma_start3A_188 = arith.constant 0 : i32
    %dma_start3A_189 = arith.constant 0 : i32
    %dma_start3A_190 = tpu.memref_slice %arg2[%dma_start3A_188, %dma_start3A_189] : memref<500000x128xf32, #tpu.memory_space<hbm>> -> memref<500000x128xf32, #tpu.memory_space<hbm>>
    tpu.enqueue_indirect_dma source(%dma_start3A_190 : memref<500000x128xf32, #tpu.memory_space<hbm>>) target(%arg13 : memref<128x128xf32, #tpu.memory_space<vmem>>) offsets(%dma_start3A_187 : memref<128xi32, #tpu.memory_space<vmem>>) semaphore(%arg15 : memref<!tpu.dma_semaphore, #tpu.memory_space<semaphore_mem>>)
    %dma_wait3A_191 = arith.constant 8 : i32
    %dma_wait3A_192 = arith.constant 0 : i32
    %dma_wait3A_193 = tpu.memref_slice %arg11[%dma_wait3A_191, %dma_wait3A_192] : memref<20x128xi32, #tpu.memory_space<vmem>> -> memref<1x128xi32, #tpu.memory_space<vmem>>
    %dma_wait3A_194 = tpu.memref_squeeze %dma_wait3A_193 : memref<1x128xi32, #tpu.memory_space<vmem>> -> memref<128xi32, #tpu.memory_space<vmem>>
    %dma_wait3A_195 = arith.constant 0 : i32
    %dma_wait3A_196 = arith.constant 0 : i32
    %dma_wait3A_197 = tpu.memref_slice %arg2[%dma_wait3A_195, %dma_wait3A_196] : memref<500000x128xf32, #tpu.memory_space<hbm>> -> memref<500000x128xf32, #tpu.memory_space<hbm>>
    tpu.wait_indirect_dma semaphore(%arg14 : memref<!tpu.dma_semaphore, #tpu.memory_space<semaphore_mem>>) src(%dma_wait3A_197 : memref<500000x128xf32, #tpu.memory_space<hbm>>) dst(%arg12 : memref<128x128xf32, #tpu.memory_space<vmem>>)
    %mul3A_198 = arith.constant 4 : i32
    %mul3A_199 = arith.muli %add3A, %mul3A_198 : i32
    %add3A_200 = arith.constant 0 : i32
    %add3A_201 = arith.addi %mul3A_199, %add3A_200 : i32
    %mul3A_202 = arith.constant 128 : i32
    %mul3A_203 = arith.muli %add3A_201, %mul3A_202 : i32
    "tpu.region"() ({
      %run_scoped3A = tpu.sem_alloc : memref<!tpu.dma_semaphore, #tpu.memory_space<semaphore_mem>>
      %dma_start3A_417 = arith.constant 0 : i32
      %dma_start3A_418 = tpu.memref_slice %arg8[%mul3A_203, %dma_start3A_417] : memref<16384x128xf32, #tpu.memory_space<hbm>> -> memref<128x128xf32, #tpu.memory_space<hbm>>
      %dma_start3A_419 = arith.constant 0 : i32
      %dma_start3A_420 = tpu.memref_slice %arg8[%mul3A_203, %dma_start3A_419] : memref<16384x128xf32, #tpu.memory_space<hbm>> -> memref<128x128xf32, #tpu.memory_space<hbm>>
      tpu.enqueue_dma source(%arg12 : memref<128x128xf32, #tpu.memory_space<vmem>>) target(%dma_start3A_420 : memref<128x128xf32, #tpu.memory_space<hbm>>) target_semaphore(%run_scoped3A : memref<!tpu.dma_semaphore, #tpu.memory_space<semaphore_mem>>)
      %dma_wait3A_421 = arith.constant 0 : i32
      %dma_wait3A_422 = tpu.memref_slice %arg8[%mul3A_203, %dma_wait3A_421] : memref<16384x128xf32, #tpu.memory_space<hbm>> -> memref<128x128xf32, #tpu.memory_space<hbm>>
      %dma_wait3A_423 = arith.constant 0 : i32
      %dma_wait3A_424 = tpu.memref_slice %arg8[%mul3A_203, %dma_wait3A_423] : memref<16384x128xf32, #tpu.memory_space<hbm>> -> memref<128x128xf32, #tpu.memory_space<hbm>>
      tpu.wait_dma2 semaphore(%run_scoped3A : memref<!tpu.dma_semaphore, #tpu.memory_space<semaphore_mem>>) src(%arg12 : memref<128x128xf32, #tpu.memory_space<vmem>>) dst(%dma_wait3A_424 : memref<128x128xf32, #tpu.memory_space<hbm>>)
      tpu.yield
    }) : () -> ()
    %dma_start3A_204 = arith.constant 10 : i32
    %dma_start3A_205 = arith.constant 0 : i32
    %dma_start3A_206 = tpu.memref_slice %arg11[%dma_start3A_204, %dma_start3A_205] : memref<20x128xi32, #tpu.memory_space<vmem>> -> memref<1x128xi32, #tpu.memory_space<vmem>>
    %dma_start3A_207 = tpu.memref_squeeze %dma_start3A_206 : memref<1x128xi32, #tpu.memory_space<vmem>> -> memref<128xi32, #tpu.memory_space<vmem>>
    %dma_start3A_208 = arith.constant 0 : i32
    %dma_start3A_209 = arith.constant 0 : i32
    %dma_start3A_210 = tpu.memref_slice %arg2[%dma_start3A_208, %dma_start3A_209] : memref<500000x128xf32, #tpu.memory_space<hbm>> -> memref<500000x128xf32, #tpu.memory_space<hbm>>
    tpu.enqueue_indirect_dma source(%dma_start3A_210 : memref<500000x128xf32, #tpu.memory_space<hbm>>) target(%arg12 : memref<128x128xf32, #tpu.memory_space<vmem>>) offsets(%dma_start3A_207 : memref<128xi32, #tpu.memory_space<vmem>>) semaphore(%arg14 : memref<!tpu.dma_semaphore, #tpu.memory_space<semaphore_mem>>)
    %dma_wait3A_211 = arith.constant 9 : i32
    %dma_wait3A_212 = arith.constant 0 : i32
    %dma_wait3A_213 = tpu.memref_slice %arg11[%dma_wait3A_211, %dma_wait3A_212] : memref<20x128xi32, #tpu.memory_space<vmem>> -> memref<1x128xi32, #tpu.memory_space<vmem>>
    %dma_wait3A_214 = tpu.memref_squeeze %dma_wait3A_213 : memref<1x128xi32, #tpu.memory_space<vmem>> -> memref<128xi32, #tpu.memory_space<vmem>>
    %dma_wait3A_215 = arith.constant 0 : i32
    %dma_wait3A_216 = arith.constant 0 : i32
    %dma_wait3A_217 = tpu.memref_slice %arg2[%dma_wait3A_215, %dma_wait3A_216] : memref<500000x128xf32, #tpu.memory_space<hbm>> -> memref<500000x128xf32, #tpu.memory_space<hbm>>
    tpu.wait_indirect_dma semaphore(%arg15 : memref<!tpu.dma_semaphore, #tpu.memory_space<semaphore_mem>>) src(%dma_wait3A_217 : memref<500000x128xf32, #tpu.memory_space<hbm>>) dst(%arg13 : memref<128x128xf32, #tpu.memory_space<vmem>>)
    %mul3A_218 = arith.constant 4 : i32
    %mul3A_219 = arith.muli %add3A, %mul3A_218 : i32
    %add3A_220 = arith.constant 1 : i32
    %add3A_221 = arith.addi %mul3A_219, %add3A_220 : i32
    %mul3A_222 = arith.constant 128 : i32
    %mul3A_223 = arith.muli %add3A_221, %mul3A_222 : i32
    "tpu.region"() ({
      %run_scoped3A = tpu.sem_alloc : memref<!tpu.dma_semaphore, #tpu.memory_space<semaphore_mem>>
      %dma_start3A_417 = arith.constant 0 : i32
      %dma_start3A_418 = tpu.memref_slice %arg8[%mul3A_223, %dma_start3A_417] : memref<16384x128xf32, #tpu.memory_space<hbm>> -> memref<128x128xf32, #tpu.memory_space<hbm>>
      %dma_start3A_419 = arith.constant 0 : i32
      %dma_start3A_420 = tpu.memref_slice %arg8[%mul3A_223, %dma_start3A_419] : memref<16384x128xf32, #tpu.memory_space<hbm>> -> memref<128x128xf32, #tpu.memory_space<hbm>>
      tpu.enqueue_dma source(%arg13 : memref<128x128xf32, #tpu.memory_space<vmem>>) target(%dma_start3A_420 : memref<128x128xf32, #tpu.memory_space<hbm>>) target_semaphore(%run_scoped3A : memref<!tpu.dma_semaphore, #tpu.memory_space<semaphore_mem>>)
      %dma_wait3A_421 = arith.constant 0 : i32
      %dma_wait3A_422 = tpu.memref_slice %arg8[%mul3A_223, %dma_wait3A_421] : memref<16384x128xf32, #tpu.memory_space<hbm>> -> memref<128x128xf32, #tpu.memory_space<hbm>>
      %dma_wait3A_423 = arith.constant 0 : i32
      %dma_wait3A_424 = tpu.memref_slice %arg8[%mul3A_223, %dma_wait3A_423] : memref<16384x128xf32, #tpu.memory_space<hbm>> -> memref<128x128xf32, #tpu.memory_space<hbm>>
      tpu.wait_dma2 semaphore(%run_scoped3A : memref<!tpu.dma_semaphore, #tpu.memory_space<semaphore_mem>>) src(%arg13 : memref<128x128xf32, #tpu.memory_space<vmem>>) dst(%dma_wait3A_424 : memref<128x128xf32, #tpu.memory_space<hbm>>)
      tpu.yield
    }) : () -> ()
    %dma_start3A_224 = arith.constant 11 : i32
    %dma_start3A_225 = arith.constant 0 : i32
    %dma_start3A_226 = tpu.memref_slice %arg11[%dma_start3A_224, %dma_start3A_225] : memref<20x128xi32, #tpu.memory_space<vmem>> -> memref<1x128xi32, #tpu.memory_space<vmem>>
    %dma_start3A_227 = tpu.memref_squeeze %dma_start3A_226 : memref<1x128xi32, #tpu.memory_space<vmem>> -> memref<128xi32, #tpu.memory_space<vmem>>
    %dma_start3A_228 = arith.constant 0 : i32
    %dma_start3A_229 = arith.constant 0 : i32
    %dma_start3A_230 = tpu.memref_slice %arg2[%dma_start3A_228, %dma_start3A_229] : memref<500000x128xf32, #tpu.memory_space<hbm>> -> memref<500000x128xf32, #tpu.memory_space<hbm>>
    tpu.enqueue_indirect_dma source(%dma_start3A_230 : memref<500000x128xf32, #tpu.memory_space<hbm>>) target(%arg13 : memref<128x128xf32, #tpu.memory_space<vmem>>) offsets(%dma_start3A_227 : memref<128xi32, #tpu.memory_space<vmem>>) semaphore(%arg15 : memref<!tpu.dma_semaphore, #tpu.memory_space<semaphore_mem>>)
    %dma_wait3A_231 = arith.constant 10 : i32
    %dma_wait3A_232 = arith.constant 0 : i32
    %dma_wait3A_233 = tpu.memref_slice %arg11[%dma_wait3A_231, %dma_wait3A_232] : memref<20x128xi32, #tpu.memory_space<vmem>> -> memref<1x128xi32, #tpu.memory_space<vmem>>
    %dma_wait3A_234 = tpu.memref_squeeze %dma_wait3A_233 : memref<1x128xi32, #tpu.memory_space<vmem>> -> memref<128xi32, #tpu.memory_space<vmem>>
    %dma_wait3A_235 = arith.constant 0 : i32
    %dma_wait3A_236 = arith.constant 0 : i32
    %dma_wait3A_237 = tpu.memref_slice %arg2[%dma_wait3A_235, %dma_wait3A_236] : memref<500000x128xf32, #tpu.memory_space<hbm>> -> memref<500000x128xf32, #tpu.memory_space<hbm>>
    tpu.wait_indirect_dma semaphore(%arg14 : memref<!tpu.dma_semaphore, #tpu.memory_space<semaphore_mem>>) src(%dma_wait3A_237 : memref<500000x128xf32, #tpu.memory_space<hbm>>) dst(%arg12 : memref<128x128xf32, #tpu.memory_space<vmem>>)
    %mul3A_238 = arith.constant 4 : i32
    %mul3A_239 = arith.muli %add3A, %mul3A_238 : i32
    %add3A_240 = arith.constant 2 : i32
    %add3A_241 = arith.addi %mul3A_239, %add3A_240 : i32
    %mul3A_242 = arith.constant 128 : i32
    %mul3A_243 = arith.muli %add3A_241, %mul3A_242 : i32
    "tpu.region"() ({
      %run_scoped3A = tpu.sem_alloc : memref<!tpu.dma_semaphore, #tpu.memory_space<semaphore_mem>>
      %dma_start3A_417 = arith.constant 0 : i32
      %dma_start3A_418 = tpu.memref_slice %arg8[%mul3A_243, %dma_start3A_417] : memref<16384x128xf32, #tpu.memory_space<hbm>> -> memref<128x128xf32, #tpu.memory_space<hbm>>
      %dma_start3A_419 = arith.constant 0 : i32
      %dma_start3A_420 = tpu.memref_slice %arg8[%mul3A_243, %dma_start3A_419] : memref<16384x128xf32, #tpu.memory_space<hbm>> -> memref<128x128xf32, #tpu.memory_space<hbm>>
      tpu.enqueue_dma source(%arg12 : memref<128x128xf32, #tpu.memory_space<vmem>>) target(%dma_start3A_420 : memref<128x128xf32, #tpu.memory_space<hbm>>) target_semaphore(%run_scoped3A : memref<!tpu.dma_semaphore, #tpu.memory_space<semaphore_mem>>)
      %dma_wait3A_421 = arith.constant 0 : i32
      %dma_wait3A_422 = tpu.memref_slice %arg8[%mul3A_243, %dma_wait3A_421] : memref<16384x128xf32, #tpu.memory_space<hbm>> -> memref<128x128xf32, #tpu.memory_space<hbm>>
      %dma_wait3A_423 = arith.constant 0 : i32
      %dma_wait3A_424 = tpu.memref_slice %arg8[%mul3A_243, %dma_wait3A_423] : memref<16384x128xf32, #tpu.memory_space<hbm>> -> memref<128x128xf32, #tpu.memory_space<hbm>>
      tpu.wait_dma2 semaphore(%run_scoped3A : memref<!tpu.dma_semaphore, #tpu.memory_space<semaphore_mem>>) src(%arg12 : memref<128x128xf32, #tpu.memory_space<vmem>>) dst(%dma_wait3A_424 : memref<128x128xf32, #tpu.memory_space<hbm>>)
      tpu.yield
    }) : () -> ()
    %dma_start3A_244 = arith.constant 12 : i32
    %dma_start3A_245 = arith.constant 0 : i32
    %dma_start3A_246 = tpu.memref_slice %arg11[%dma_start3A_244, %dma_start3A_245] : memref<20x128xi32, #tpu.memory_space<vmem>> -> memref<1x128xi32, #tpu.memory_space<vmem>>
    %dma_start3A_247 = tpu.memref_squeeze %dma_start3A_246 : memref<1x128xi32, #tpu.memory_space<vmem>> -> memref<128xi32, #tpu.memory_space<vmem>>
    %dma_start3A_248 = arith.constant 0 : i32
    %dma_start3A_249 = arith.constant 0 : i32
    %dma_start3A_250 = tpu.memref_slice %arg2[%dma_start3A_248, %dma_start3A_249] : memref<500000x128xf32, #tpu.memory_space<hbm>> -> memref<500000x128xf32, #tpu.memory_space<hbm>>
    tpu.enqueue_indirect_dma source(%dma_start3A_250 : memref<500000x128xf32, #tpu.memory_space<hbm>>) target(%arg12 : memref<128x128xf32, #tpu.memory_space<vmem>>) offsets(%dma_start3A_247 : memref<128xi32, #tpu.memory_space<vmem>>) semaphore(%arg14 : memref<!tpu.dma_semaphore, #tpu.memory_space<semaphore_mem>>)
    %dma_wait3A_251 = arith.constant 11 : i32
    %dma_wait3A_252 = arith.constant 0 : i32
    %dma_wait3A_253 = tpu.memref_slice %arg11[%dma_wait3A_251, %dma_wait3A_252] : memref<20x128xi32, #tpu.memory_space<vmem>> -> memref<1x128xi32, #tpu.memory_space<vmem>>
    %dma_wait3A_254 = tpu.memref_squeeze %dma_wait3A_253 : memref<1x128xi32, #tpu.memory_space<vmem>> -> memref<128xi32, #tpu.memory_space<vmem>>
    %dma_wait3A_255 = arith.constant 0 : i32
    %dma_wait3A_256 = arith.constant 0 : i32
    %dma_wait3A_257 = tpu.memref_slice %arg2[%dma_wait3A_255, %dma_wait3A_256] : memref<500000x128xf32, #tpu.memory_space<hbm>> -> memref<500000x128xf32, #tpu.memory_space<hbm>>
    tpu.wait_indirect_dma semaphore(%arg15 : memref<!tpu.dma_semaphore, #tpu.memory_space<semaphore_mem>>) src(%dma_wait3A_257 : memref<500000x128xf32, #tpu.memory_space<hbm>>) dst(%arg13 : memref<128x128xf32, #tpu.memory_space<vmem>>)
    %mul3A_258 = arith.constant 4 : i32
    %mul3A_259 = arith.muli %add3A, %mul3A_258 : i32
    %add3A_260 = arith.constant 3 : i32
    %add3A_261 = arith.addi %mul3A_259, %add3A_260 : i32
    %mul3A_262 = arith.constant 128 : i32
    %mul3A_263 = arith.muli %add3A_261, %mul3A_262 : i32
    "tpu.region"() ({
      %run_scoped3A = tpu.sem_alloc : memref<!tpu.dma_semaphore, #tpu.memory_space<semaphore_mem>>
      %dma_start3A_417 = arith.constant 0 : i32
      %dma_start3A_418 = tpu.memref_slice %arg8[%mul3A_263, %dma_start3A_417] : memref<16384x128xf32, #tpu.memory_space<hbm>> -> memref<128x128xf32, #tpu.memory_space<hbm>>
      %dma_start3A_419 = arith.constant 0 : i32
      %dma_start3A_420 = tpu.memref_slice %arg8[%mul3A_263, %dma_start3A_419] : memref<16384x128xf32, #tpu.memory_space<hbm>> -> memref<128x128xf32, #tpu.memory_space<hbm>>
      tpu.enqueue_dma source(%arg13 : memref<128x128xf32, #tpu.memory_space<vmem>>) target(%dma_start3A_420 : memref<128x128xf32, #tpu.memory_space<hbm>>) target_semaphore(%run_scoped3A : memref<!tpu.dma_semaphore, #tpu.memory_space<semaphore_mem>>)
      %dma_wait3A_421 = arith.constant 0 : i32
      %dma_wait3A_422 = tpu.memref_slice %arg8[%mul3A_263, %dma_wait3A_421] : memref<16384x128xf32, #tpu.memory_space<hbm>> -> memref<128x128xf32, #tpu.memory_space<hbm>>
      %dma_wait3A_423 = arith.constant 0 : i32
      %dma_wait3A_424 = tpu.memref_slice %arg8[%mul3A_263, %dma_wait3A_423] : memref<16384x128xf32, #tpu.memory_space<hbm>> -> memref<128x128xf32, #tpu.memory_space<hbm>>
      tpu.wait_dma2 semaphore(%run_scoped3A : memref<!tpu.dma_semaphore, #tpu.memory_space<semaphore_mem>>) src(%arg13 : memref<128x128xf32, #tpu.memory_space<vmem>>) dst(%dma_wait3A_424 : memref<128x128xf32, #tpu.memory_space<hbm>>)
      tpu.yield
    }) : () -> ()
    %dma_start3A_264 = arith.constant 13 : i32
    %dma_start3A_265 = arith.constant 0 : i32
    %dma_start3A_266 = tpu.memref_slice %arg11[%dma_start3A_264, %dma_start3A_265] : memref<20x128xi32, #tpu.memory_space<vmem>> -> memref<1x128xi32, #tpu.memory_space<vmem>>
    %dma_start3A_267 = tpu.memref_squeeze %dma_start3A_266 : memref<1x128xi32, #tpu.memory_space<vmem>> -> memref<128xi32, #tpu.memory_space<vmem>>
    %dma_start3A_268 = arith.constant 0 : i32
    %dma_start3A_269 = arith.constant 0 : i32
    %dma_start3A_270 = tpu.memref_slice %arg2[%dma_start3A_268, %dma_start3A_269] : memref<500000x128xf32, #tpu.memory_space<hbm>> -> memref<500000x128xf32, #tpu.memory_space<hbm>>
    tpu.enqueue_indirect_dma source(%dma_start3A_270 : memref<500000x128xf32, #tpu.memory_space<hbm>>) target(%arg13 : memref<128x128xf32, #tpu.memory_space<vmem>>) offsets(%dma_start3A_267 : memref<128xi32, #tpu.memory_space<vmem>>) semaphore(%arg15 : memref<!tpu.dma_semaphore, #tpu.memory_space<semaphore_mem>>)
    %dma_wait3A_271 = arith.constant 12 : i32
    %dma_wait3A_272 = arith.constant 0 : i32
    %dma_wait3A_273 = tpu.memref_slice %arg11[%dma_wait3A_271, %dma_wait3A_272] : memref<20x128xi32, #tpu.memory_space<vmem>> -> memref<1x128xi32, #tpu.memory_space<vmem>>
    %dma_wait3A_274 = tpu.memref_squeeze %dma_wait3A_273 : memref<1x128xi32, #tpu.memory_space<vmem>> -> memref<128xi32, #tpu.memory_space<vmem>>
    %dma_wait3A_275 = arith.constant 0 : i32
    %dma_wait3A_276 = arith.constant 0 : i32
    %dma_wait3A_277 = tpu.memref_slice %arg2[%dma_wait3A_275, %dma_wait3A_276] : memref<500000x128xf32, #tpu.memory_space<hbm>> -> memref<500000x128xf32, #tpu.memory_space<hbm>>
    tpu.wait_indirect_dma semaphore(%arg14 : memref<!tpu.dma_semaphore, #tpu.memory_space<semaphore_mem>>) src(%dma_wait3A_277 : memref<500000x128xf32, #tpu.memory_space<hbm>>) dst(%arg12 : memref<128x128xf32, #tpu.memory_space<vmem>>)
    %mul3A_278 = arith.constant 4 : i32
    %mul3A_279 = arith.muli %add3A, %mul3A_278 : i32
    %add3A_280 = arith.constant 0 : i32
    %add3A_281 = arith.addi %mul3A_279, %add3A_280 : i32
    %mul3A_282 = arith.constant 128 : i32
    %mul3A_283 = arith.muli %add3A_281, %mul3A_282 : i32
    "tpu.region"() ({
      %run_scoped3A = tpu.sem_alloc : memref<!tpu.dma_semaphore, #tpu.memory_space<semaphore_mem>>
      %dma_start3A_417 = arith.constant 0 : i32
      %dma_start3A_418 = tpu.memref_slice %arg9[%mul3A_283, %dma_start3A_417] : memref<16384x128xf32, #tpu.memory_space<hbm>> -> memref<128x128xf32, #tpu.memory_space<hbm>>
      %dma_start3A_419 = arith.constant 0 : i32
      %dma_start3A_420 = tpu.memref_slice %arg9[%mul3A_283, %dma_start3A_419] : memref<16384x128xf32, #tpu.memory_space<hbm>> -> memref<128x128xf32, #tpu.memory_space<hbm>>
      tpu.enqueue_dma source(%arg12 : memref<128x128xf32, #tpu.memory_space<vmem>>) target(%dma_start3A_420 : memref<128x128xf32, #tpu.memory_space<hbm>>) target_semaphore(%run_scoped3A : memref<!tpu.dma_semaphore, #tpu.memory_space<semaphore_mem>>)
      %dma_wait3A_421 = arith.constant 0 : i32
      %dma_wait3A_422 = tpu.memref_slice %arg9[%mul3A_283, %dma_wait3A_421] : memref<16384x128xf32, #tpu.memory_space<hbm>> -> memref<128x128xf32, #tpu.memory_space<hbm>>
      %dma_wait3A_423 = arith.constant 0 : i32
      %dma_wait3A_424 = tpu.memref_slice %arg9[%mul3A_283, %dma_wait3A_423] : memref<16384x128xf32, #tpu.memory_space<hbm>> -> memref<128x128xf32, #tpu.memory_space<hbm>>
      tpu.wait_dma2 semaphore(%run_scoped3A : memref<!tpu.dma_semaphore, #tpu.memory_space<semaphore_mem>>) src(%arg12 : memref<128x128xf32, #tpu.memory_space<vmem>>) dst(%dma_wait3A_424 : memref<128x128xf32, #tpu.memory_space<hbm>>)
      tpu.yield
    }) : () -> ()
    %dma_start3A_284 = arith.constant 14 : i32
    %dma_start3A_285 = arith.constant 0 : i32
    %dma_start3A_286 = tpu.memref_slice %arg11[%dma_start3A_284, %dma_start3A_285] : memref<20x128xi32, #tpu.memory_space<vmem>> -> memref<1x128xi32, #tpu.memory_space<vmem>>
    %dma_start3A_287 = tpu.memref_squeeze %dma_start3A_286 : memref<1x128xi32, #tpu.memory_space<vmem>> -> memref<128xi32, #tpu.memory_space<vmem>>
    %dma_start3A_288 = arith.constant 0 : i32
    %dma_start3A_289 = arith.constant 0 : i32
    %dma_start3A_290 = tpu.memref_slice %arg2[%dma_start3A_288, %dma_start3A_289] : memref<500000x128xf32, #tpu.memory_space<hbm>> -> memref<500000x128xf32, #tpu.memory_space<hbm>>
    tpu.enqueue_indirect_dma source(%dma_start3A_290 : memref<500000x128xf32, #tpu.memory_space<hbm>>) target(%arg12 : memref<128x128xf32, #tpu.memory_space<vmem>>) offsets(%dma_start3A_287 : memref<128xi32, #tpu.memory_space<vmem>>) semaphore(%arg14 : memref<!tpu.dma_semaphore, #tpu.memory_space<semaphore_mem>>)
    %dma_wait3A_291 = arith.constant 13 : i32
    %dma_wait3A_292 = arith.constant 0 : i32
    %dma_wait3A_293 = tpu.memref_slice %arg11[%dma_wait3A_291, %dma_wait3A_292] : memref<20x128xi32, #tpu.memory_space<vmem>> -> memref<1x128xi32, #tpu.memory_space<vmem>>
    %dma_wait3A_294 = tpu.memref_squeeze %dma_wait3A_293 : memref<1x128xi32, #tpu.memory_space<vmem>> -> memref<128xi32, #tpu.memory_space<vmem>>
    %dma_wait3A_295 = arith.constant 0 : i32
    %dma_wait3A_296 = arith.constant 0 : i32
    %dma_wait3A_297 = tpu.memref_slice %arg2[%dma_wait3A_295, %dma_wait3A_296] : memref<500000x128xf32, #tpu.memory_space<hbm>> -> memref<500000x128xf32, #tpu.memory_space<hbm>>
    tpu.wait_indirect_dma semaphore(%arg15 : memref<!tpu.dma_semaphore, #tpu.memory_space<semaphore_mem>>) src(%dma_wait3A_297 : memref<500000x128xf32, #tpu.memory_space<hbm>>) dst(%arg13 : memref<128x128xf32, #tpu.memory_space<vmem>>)
    %mul3A_298 = arith.constant 4 : i32
    %mul3A_299 = arith.muli %add3A, %mul3A_298 : i32
    %add3A_300 = arith.constant 1 : i32
    %add3A_301 = arith.addi %mul3A_299, %add3A_300 : i32
    %mul3A_302 = arith.constant 128 : i32
    %mul3A_303 = arith.muli %add3A_301, %mul3A_302 : i32
    "tpu.region"() ({
      %run_scoped3A = tpu.sem_alloc : memref<!tpu.dma_semaphore, #tpu.memory_space<semaphore_mem>>
      %dma_start3A_417 = arith.constant 0 : i32
      %dma_start3A_418 = tpu.memref_slice %arg9[%mul3A_303, %dma_start3A_417] : memref<16384x128xf32, #tpu.memory_space<hbm>> -> memref<128x128xf32, #tpu.memory_space<hbm>>
      %dma_start3A_419 = arith.constant 0 : i32
      %dma_start3A_420 = tpu.memref_slice %arg9[%mul3A_303, %dma_start3A_419] : memref<16384x128xf32, #tpu.memory_space<hbm>> -> memref<128x128xf32, #tpu.memory_space<hbm>>
      tpu.enqueue_dma source(%arg13 : memref<128x128xf32, #tpu.memory_space<vmem>>) target(%dma_start3A_420 : memref<128x128xf32, #tpu.memory_space<hbm>>) target_semaphore(%run_scoped3A : memref<!tpu.dma_semaphore, #tpu.memory_space<semaphore_mem>>)
      %dma_wait3A_421 = arith.constant 0 : i32
      %dma_wait3A_422 = tpu.memref_slice %arg9[%mul3A_303, %dma_wait3A_421] : memref<16384x128xf32, #tpu.memory_space<hbm>> -> memref<128x128xf32, #tpu.memory_space<hbm>>
      %dma_wait3A_423 = arith.constant 0 : i32
      %dma_wait3A_424 = tpu.memref_slice %arg9[%mul3A_303, %dma_wait3A_423] : memref<16384x128xf32, #tpu.memory_space<hbm>> -> memref<128x128xf32, #tpu.memory_space<hbm>>
      tpu.wait_dma2 semaphore(%run_scoped3A : memref<!tpu.dma_semaphore, #tpu.memory_space<semaphore_mem>>) src(%arg13 : memref<128x128xf32, #tpu.memory_space<vmem>>) dst(%dma_wait3A_424 : memref<128x128xf32, #tpu.memory_space<hbm>>)
      tpu.yield
    }) : () -> ()
    %dma_start3A_304 = arith.constant 15 : i32
    %dma_start3A_305 = arith.constant 0 : i32
    %dma_start3A_306 = tpu.memref_slice %arg11[%dma_start3A_304, %dma_start3A_305] : memref<20x128xi32, #tpu.memory_space<vmem>> -> memref<1x128xi32, #tpu.memory_space<vmem>>
    %dma_start3A_307 = tpu.memref_squeeze %dma_start3A_306 : memref<1x128xi32, #tpu.memory_space<vmem>> -> memref<128xi32, #tpu.memory_space<vmem>>
    %dma_start3A_308 = arith.constant 0 : i32
    %dma_start3A_309 = arith.constant 0 : i32
    %dma_start3A_310 = tpu.memref_slice %arg2[%dma_start3A_308, %dma_start3A_309] : memref<500000x128xf32, #tpu.memory_space<hbm>> -> memref<500000x128xf32, #tpu.memory_space<hbm>>
    tpu.enqueue_indirect_dma source(%dma_start3A_310 : memref<500000x128xf32, #tpu.memory_space<hbm>>) target(%arg13 : memref<128x128xf32, #tpu.memory_space<vmem>>) offsets(%dma_start3A_307 : memref<128xi32, #tpu.memory_space<vmem>>) semaphore(%arg15 : memref<!tpu.dma_semaphore, #tpu.memory_space<semaphore_mem>>)
    %dma_wait3A_311 = arith.constant 14 : i32
    %dma_wait3A_312 = arith.constant 0 : i32
    %dma_wait3A_313 = tpu.memref_slice %arg11[%dma_wait3A_311, %dma_wait3A_312] : memref<20x128xi32, #tpu.memory_space<vmem>> -> memref<1x128xi32, #tpu.memory_space<vmem>>
    %dma_wait3A_314 = tpu.memref_squeeze %dma_wait3A_313 : memref<1x128xi32, #tpu.memory_space<vmem>> -> memref<128xi32, #tpu.memory_space<vmem>>
    %dma_wait3A_315 = arith.constant 0 : i32
    %dma_wait3A_316 = arith.constant 0 : i32
    %dma_wait3A_317 = tpu.memref_slice %arg2[%dma_wait3A_315, %dma_wait3A_316] : memref<500000x128xf32, #tpu.memory_space<hbm>> -> memref<500000x128xf32, #tpu.memory_space<hbm>>
    tpu.wait_indirect_dma semaphore(%arg14 : memref<!tpu.dma_semaphore, #tpu.memory_space<semaphore_mem>>) src(%dma_wait3A_317 : memref<500000x128xf32, #tpu.memory_space<hbm>>) dst(%arg12 : memref<128x128xf32, #tpu.memory_space<vmem>>)
    %mul3A_318 = arith.constant 4 : i32
    %mul3A_319 = arith.muli %add3A, %mul3A_318 : i32
    %add3A_320 = arith.constant 2 : i32
    %add3A_321 = arith.addi %mul3A_319, %add3A_320 : i32
    %mul3A_322 = arith.constant 128 : i32
    %mul3A_323 = arith.muli %add3A_321, %mul3A_322 : i32
    "tpu.region"() ({
      %run_scoped3A = tpu.sem_alloc : memref<!tpu.dma_semaphore, #tpu.memory_space<semaphore_mem>>
      %dma_start3A_417 = arith.constant 0 : i32
      %dma_start3A_418 = tpu.memref_slice %arg9[%mul3A_323, %dma_start3A_417] : memref<16384x128xf32, #tpu.memory_space<hbm>> -> memref<128x128xf32, #tpu.memory_space<hbm>>
      %dma_start3A_419 = arith.constant 0 : i32
      %dma_start3A_420 = tpu.memref_slice %arg9[%mul3A_323, %dma_start3A_419] : memref<16384x128xf32, #tpu.memory_space<hbm>> -> memref<128x128xf32, #tpu.memory_space<hbm>>
      tpu.enqueue_dma source(%arg12 : memref<128x128xf32, #tpu.memory_space<vmem>>) target(%dma_start3A_420 : memref<128x128xf32, #tpu.memory_space<hbm>>) target_semaphore(%run_scoped3A : memref<!tpu.dma_semaphore, #tpu.memory_space<semaphore_mem>>)
      %dma_wait3A_421 = arith.constant 0 : i32
      %dma_wait3A_422 = tpu.memref_slice %arg9[%mul3A_323, %dma_wait3A_421] : memref<16384x128xf32, #tpu.memory_space<hbm>> -> memref<128x128xf32, #tpu.memory_space<hbm>>
      %dma_wait3A_423 = arith.constant 0 : i32
      %dma_wait3A_424 = tpu.memref_slice %arg9[%mul3A_323, %dma_wait3A_423] : memref<16384x128xf32, #tpu.memory_space<hbm>> -> memref<128x128xf32, #tpu.memory_space<hbm>>
      tpu.wait_dma2 semaphore(%run_scoped3A : memref<!tpu.dma_semaphore, #tpu.memory_space<semaphore_mem>>) src(%arg12 : memref<128x128xf32, #tpu.memory_space<vmem>>) dst(%dma_wait3A_424 : memref<128x128xf32, #tpu.memory_space<hbm>>)
      tpu.yield
    }) : () -> ()
    %dma_start3A_324 = arith.constant 16 : i32
    %dma_start3A_325 = arith.constant 0 : i32
    %dma_start3A_326 = tpu.memref_slice %arg11[%dma_start3A_324, %dma_start3A_325] : memref<20x128xi32, #tpu.memory_space<vmem>> -> memref<1x128xi32, #tpu.memory_space<vmem>>
    %dma_start3A_327 = tpu.memref_squeeze %dma_start3A_326 : memref<1x128xi32, #tpu.memory_space<vmem>> -> memref<128xi32, #tpu.memory_space<vmem>>
    %dma_start3A_328 = arith.constant 0 : i32
    %dma_start3A_329 = arith.constant 0 : i32
    %dma_start3A_330 = tpu.memref_slice %arg3[%dma_start3A_328, %dma_start3A_329] : memref<500x128xf32, #tpu.memory_space<hbm>> -> memref<500x128xf32, #tpu.memory_space<hbm>>
    tpu.enqueue_indirect_dma source(%dma_start3A_330 : memref<500x128xf32, #tpu.memory_space<hbm>>) target(%arg12 : memref<128x128xf32, #tpu.memory_space<vmem>>) offsets(%dma_start3A_327 : memref<128xi32, #tpu.memory_space<vmem>>) semaphore(%arg14 : memref<!tpu.dma_semaphore, #tpu.memory_space<semaphore_mem>>)
    %dma_wait3A_331 = arith.constant 15 : i32
    %dma_wait3A_332 = arith.constant 0 : i32
    %dma_wait3A_333 = tpu.memref_slice %arg11[%dma_wait3A_331, %dma_wait3A_332] : memref<20x128xi32, #tpu.memory_space<vmem>> -> memref<1x128xi32, #tpu.memory_space<vmem>>
    %dma_wait3A_334 = tpu.memref_squeeze %dma_wait3A_333 : memref<1x128xi32, #tpu.memory_space<vmem>> -> memref<128xi32, #tpu.memory_space<vmem>>
    %dma_wait3A_335 = arith.constant 0 : i32
    %dma_wait3A_336 = arith.constant 0 : i32
    %dma_wait3A_337 = tpu.memref_slice %arg2[%dma_wait3A_335, %dma_wait3A_336] : memref<500000x128xf32, #tpu.memory_space<hbm>> -> memref<500000x128xf32, #tpu.memory_space<hbm>>
    tpu.wait_indirect_dma semaphore(%arg15 : memref<!tpu.dma_semaphore, #tpu.memory_space<semaphore_mem>>) src(%dma_wait3A_337 : memref<500000x128xf32, #tpu.memory_space<hbm>>) dst(%arg13 : memref<128x128xf32, #tpu.memory_space<vmem>>)
    %mul3A_338 = arith.constant 4 : i32
    %mul3A_339 = arith.muli %add3A, %mul3A_338 : i32
    %add3A_340 = arith.constant 3 : i32
    %add3A_341 = arith.addi %mul3A_339, %add3A_340 : i32
    %mul3A_342 = arith.constant 128 : i32
    %mul3A_343 = arith.muli %add3A_341, %mul3A_342 : i32
    "tpu.region"() ({
      %run_scoped3A = tpu.sem_alloc : memref<!tpu.dma_semaphore, #tpu.memory_space<semaphore_mem>>
      %dma_start3A_417 = arith.constant 0 : i32
      %dma_start3A_418 = tpu.memref_slice %arg9[%mul3A_343, %dma_start3A_417] : memref<16384x128xf32, #tpu.memory_space<hbm>> -> memref<128x128xf32, #tpu.memory_space<hbm>>
      %dma_start3A_419 = arith.constant 0 : i32
      %dma_start3A_420 = tpu.memref_slice %arg9[%mul3A_343, %dma_start3A_419] : memref<16384x128xf32, #tpu.memory_space<hbm>> -> memref<128x128xf32, #tpu.memory_space<hbm>>
      tpu.enqueue_dma source(%arg13 : memref<128x128xf32, #tpu.memory_space<vmem>>) target(%dma_start3A_420 : memref<128x128xf32, #tpu.memory_space<hbm>>) target_semaphore(%run_scoped3A : memref<!tpu.dma_semaphore, #tpu.memory_space<semaphore_mem>>)
      %dma_wait3A_421 = arith.constant 0 : i32
      %dma_wait3A_422 = tpu.memref_slice %arg9[%mul3A_343, %dma_wait3A_421] : memref<16384x128xf32, #tpu.memory_space<hbm>> -> memref<128x128xf32, #tpu.memory_space<hbm>>
      %dma_wait3A_423 = arith.constant 0 : i32
      %dma_wait3A_424 = tpu.memref_slice %arg9[%mul3A_343, %dma_wait3A_423] : memref<16384x128xf32, #tpu.memory_space<hbm>> -> memref<128x128xf32, #tpu.memory_space<hbm>>
      tpu.wait_dma2 semaphore(%run_scoped3A : memref<!tpu.dma_semaphore, #tpu.memory_space<semaphore_mem>>) src(%arg13 : memref<128x128xf32, #tpu.memory_space<vmem>>) dst(%dma_wait3A_424 : memref<128x128xf32, #tpu.memory_space<hbm>>)
      tpu.yield
    }) : () -> ()
    %dma_start3A_344 = arith.constant 17 : i32
    %dma_start3A_345 = arith.constant 0 : i32
    %dma_start3A_346 = tpu.memref_slice %arg11[%dma_start3A_344, %dma_start3A_345] : memref<20x128xi32, #tpu.memory_space<vmem>> -> memref<1x128xi32, #tpu.memory_space<vmem>>
    %dma_start3A_347 = tpu.memref_squeeze %dma_start3A_346 : memref<1x128xi32, #tpu.memory_space<vmem>> -> memref<128xi32, #tpu.memory_space<vmem>>
    %dma_start3A_348 = arith.constant 0 : i32
    %dma_start3A_349 = arith.constant 0 : i32
    %dma_start3A_350 = tpu.memref_slice %arg3[%dma_start3A_348, %dma_start3A_349] : memref<500x128xf32, #tpu.memory_space<hbm>> -> memref<500x128xf32, #tpu.memory_space<hbm>>
    tpu.enqueue_indirect_dma source(%dma_start3A_350 : memref<500x128xf32, #tpu.memory_space<hbm>>) target(%arg13 : memref<128x128xf32, #tpu.memory_space<vmem>>) offsets(%dma_start3A_347 : memref<128xi32, #tpu.memory_space<vmem>>) semaphore(%arg15 : memref<!tpu.dma_semaphore, #tpu.memory_space<semaphore_mem>>)
    %dma_wait3A_351 = arith.constant 16 : i32
    %dma_wait3A_352 = arith.constant 0 : i32
    %dma_wait3A_353 = tpu.memref_slice %arg11[%dma_wait3A_351, %dma_wait3A_352] : memref<20x128xi32, #tpu.memory_space<vmem>> -> memref<1x128xi32, #tpu.memory_space<vmem>>
    %dma_wait3A_354 = tpu.memref_squeeze %dma_wait3A_353 : memref<1x128xi32, #tpu.memory_space<vmem>> -> memref<128xi32, #tpu.memory_space<vmem>>
    %dma_wait3A_355 = arith.constant 0 : i32
    %dma_wait3A_356 = arith.constant 0 : i32
    %dma_wait3A_357 = tpu.memref_slice %arg3[%dma_wait3A_355, %dma_wait3A_356] : memref<500x128xf32, #tpu.memory_space<hbm>> -> memref<500x128xf32, #tpu.memory_space<hbm>>
    tpu.wait_indirect_dma semaphore(%arg14 : memref<!tpu.dma_semaphore, #tpu.memory_space<semaphore_mem>>) src(%dma_wait3A_357 : memref<500x128xf32, #tpu.memory_space<hbm>>) dst(%arg12 : memref<128x128xf32, #tpu.memory_space<vmem>>)
    %mul3A_358 = arith.constant 4 : i32
    %mul3A_359 = arith.muli %add3A, %mul3A_358 : i32
    %add3A_360 = arith.constant 0 : i32
    %add3A_361 = arith.addi %mul3A_359, %add3A_360 : i32
    %mul3A_362 = arith.constant 128 : i32
    %mul3A_363 = arith.muli %add3A_361, %mul3A_362 : i32
    "tpu.region"() ({
      %run_scoped3A = tpu.sem_alloc : memref<!tpu.dma_semaphore, #tpu.memory_space<semaphore_mem>>
      %dma_start3A_417 = arith.constant 0 : i32
      %dma_start3A_418 = tpu.memref_slice %arg10[%mul3A_363, %dma_start3A_417] : memref<16384x128xf32, #tpu.memory_space<hbm>> -> memref<128x128xf32, #tpu.memory_space<hbm>>
      %dma_start3A_419 = arith.constant 0 : i32
      %dma_start3A_420 = tpu.memref_slice %arg10[%mul3A_363, %dma_start3A_419] : memref<16384x128xf32, #tpu.memory_space<hbm>> -> memref<128x128xf32, #tpu.memory_space<hbm>>
      tpu.enqueue_dma source(%arg12 : memref<128x128xf32, #tpu.memory_space<vmem>>) target(%dma_start3A_420 : memref<128x128xf32, #tpu.memory_space<hbm>>) target_semaphore(%run_scoped3A : memref<!tpu.dma_semaphore, #tpu.memory_space<semaphore_mem>>)
      %dma_wait3A_421 = arith.constant 0 : i32
      %dma_wait3A_422 = tpu.memref_slice %arg10[%mul3A_363, %dma_wait3A_421] : memref<16384x128xf32, #tpu.memory_space<hbm>> -> memref<128x128xf32, #tpu.memory_space<hbm>>
      %dma_wait3A_423 = arith.constant 0 : i32
      %dma_wait3A_424 = tpu.memref_slice %arg10[%mul3A_363, %dma_wait3A_423] : memref<16384x128xf32, #tpu.memory_space<hbm>> -> memref<128x128xf32, #tpu.memory_space<hbm>>
      tpu.wait_dma2 semaphore(%run_scoped3A : memref<!tpu.dma_semaphore, #tpu.memory_space<semaphore_mem>>) src(%arg12 : memref<128x128xf32, #tpu.memory_space<vmem>>) dst(%dma_wait3A_424 : memref<128x128xf32, #tpu.memory_space<hbm>>)
      tpu.yield
    }) : () -> ()
    %dma_start3A_364 = arith.constant 18 : i32
    %dma_start3A_365 = arith.constant 0 : i32
    %dma_start3A_366 = tpu.memref_slice %arg11[%dma_start3A_364, %dma_start3A_365] : memref<20x128xi32, #tpu.memory_space<vmem>> -> memref<1x128xi32, #tpu.memory_space<vmem>>
    %dma_start3A_367 = tpu.memref_squeeze %dma_start3A_366 : memref<1x128xi32, #tpu.memory_space<vmem>> -> memref<128xi32, #tpu.memory_space<vmem>>
    %dma_start3A_368 = arith.constant 0 : i32
    %dma_start3A_369 = arith.constant 0 : i32
    %dma_start3A_370 = tpu.memref_slice %arg3[%dma_start3A_368, %dma_start3A_369] : memref<500x128xf32, #tpu.memory_space<hbm>> -> memref<500x128xf32, #tpu.memory_space<hbm>>
    tpu.enqueue_indirect_dma source(%dma_start3A_370 : memref<500x128xf32, #tpu.memory_space<hbm>>) target(%arg12 : memref<128x128xf32, #tpu.memory_space<vmem>>) offsets(%dma_start3A_367 : memref<128xi32, #tpu.memory_space<vmem>>) semaphore(%arg14 : memref<!tpu.dma_semaphore, #tpu.memory_space<semaphore_mem>>)
    %dma_wait3A_371 = arith.constant 17 : i32
    %dma_wait3A_372 = arith.constant 0 : i32
    %dma_wait3A_373 = tpu.memref_slice %arg11[%dma_wait3A_371, %dma_wait3A_372] : memref<20x128xi32, #tpu.memory_space<vmem>> -> memref<1x128xi32, #tpu.memory_space<vmem>>
    %dma_wait3A_374 = tpu.memref_squeeze %dma_wait3A_373 : memref<1x128xi32, #tpu.memory_space<vmem>> -> memref<128xi32, #tpu.memory_space<vmem>>
    %dma_wait3A_375 = arith.constant 0 : i32
    %dma_wait3A_376 = arith.constant 0 : i32
    %dma_wait3A_377 = tpu.memref_slice %arg3[%dma_wait3A_375, %dma_wait3A_376] : memref<500x128xf32, #tpu.memory_space<hbm>> -> memref<500x128xf32, #tpu.memory_space<hbm>>
    tpu.wait_indirect_dma semaphore(%arg15 : memref<!tpu.dma_semaphore, #tpu.memory_space<semaphore_mem>>) src(%dma_wait3A_377 : memref<500x128xf32, #tpu.memory_space<hbm>>) dst(%arg13 : memref<128x128xf32, #tpu.memory_space<vmem>>)
    %mul3A_378 = arith.constant 4 : i32
    %mul3A_379 = arith.muli %add3A, %mul3A_378 : i32
    %add3A_380 = arith.constant 1 : i32
    %add3A_381 = arith.addi %mul3A_379, %add3A_380 : i32
    %mul3A_382 = arith.constant 128 : i32
    %mul3A_383 = arith.muli %add3A_381, %mul3A_382 : i32
    "tpu.region"() ({
      %run_scoped3A = tpu.sem_alloc : memref<!tpu.dma_semaphore, #tpu.memory_space<semaphore_mem>>
      %dma_start3A_417 = arith.constant 0 : i32
      %dma_start3A_418 = tpu.memref_slice %arg10[%mul3A_383, %dma_start3A_417] : memref<16384x128xf32, #tpu.memory_space<hbm>> -> memref<128x128xf32, #tpu.memory_space<hbm>>
      %dma_start3A_419 = arith.constant 0 : i32
      %dma_start3A_420 = tpu.memref_slice %arg10[%mul3A_383, %dma_start3A_419] : memref<16384x128xf32, #tpu.memory_space<hbm>> -> memref<128x128xf32, #tpu.memory_space<hbm>>
      tpu.enqueue_dma source(%arg13 : memref<128x128xf32, #tpu.memory_space<vmem>>) target(%dma_start3A_420 : memref<128x128xf32, #tpu.memory_space<hbm>>) target_semaphore(%run_scoped3A : memref<!tpu.dma_semaphore, #tpu.memory_space<semaphore_mem>>)
      %dma_wait3A_421 = arith.constant 0 : i32
      %dma_wait3A_422 = tpu.memref_slice %arg10[%mul3A_383, %dma_wait3A_421] : memref<16384x128xf32, #tpu.memory_space<hbm>> -> memref<128x128xf32, #tpu.memory_space<hbm>>
      %dma_wait3A_423 = arith.constant 0 : i32
      %dma_wait3A_424 = tpu.memref_slice %arg10[%mul3A_383, %dma_wait3A_423] : memref<16384x128xf32, #tpu.memory_space<hbm>> -> memref<128x128xf32, #tpu.memory_space<hbm>>
      tpu.wait_dma2 semaphore(%run_scoped3A : memref<!tpu.dma_semaphore, #tpu.memory_space<semaphore_mem>>) src(%arg13 : memref<128x128xf32, #tpu.memory_space<vmem>>) dst(%dma_wait3A_424 : memref<128x128xf32, #tpu.memory_space<hbm>>)
      tpu.yield
    }) : () -> ()
    %dma_start3A_384 = arith.constant 19 : i32
    %dma_start3A_385 = arith.constant 0 : i32
    %dma_start3A_386 = tpu.memref_slice %arg11[%dma_start3A_384, %dma_start3A_385] : memref<20x128xi32, #tpu.memory_space<vmem>> -> memref<1x128xi32, #tpu.memory_space<vmem>>
    %dma_start3A_387 = tpu.memref_squeeze %dma_start3A_386 : memref<1x128xi32, #tpu.memory_space<vmem>> -> memref<128xi32, #tpu.memory_space<vmem>>
    %dma_start3A_388 = arith.constant 0 : i32
    %dma_start3A_389 = arith.constant 0 : i32
    %dma_start3A_390 = tpu.memref_slice %arg3[%dma_start3A_388, %dma_start3A_389] : memref<500x128xf32, #tpu.memory_space<hbm>> -> memref<500x128xf32, #tpu.memory_space<hbm>>
    tpu.enqueue_indirect_dma source(%dma_start3A_390 : memref<500x128xf32, #tpu.memory_space<hbm>>) target(%arg13 : memref<128x128xf32, #tpu.memory_space<vmem>>) offsets(%dma_start3A_387 : memref<128xi32, #tpu.memory_space<vmem>>) semaphore(%arg15 : memref<!tpu.dma_semaphore, #tpu.memory_space<semaphore_mem>>)
    %dma_wait3A_391 = arith.constant 18 : i32
    %dma_wait3A_392 = arith.constant 0 : i32
    %dma_wait3A_393 = tpu.memref_slice %arg11[%dma_wait3A_391, %dma_wait3A_392] : memref<20x128xi32, #tpu.memory_space<vmem>> -> memref<1x128xi32, #tpu.memory_space<vmem>>
    %dma_wait3A_394 = tpu.memref_squeeze %dma_wait3A_393 : memref<1x128xi32, #tpu.memory_space<vmem>> -> memref<128xi32, #tpu.memory_space<vmem>>
    %dma_wait3A_395 = arith.constant 0 : i32
    %dma_wait3A_396 = arith.constant 0 : i32
    %dma_wait3A_397 = tpu.memref_slice %arg3[%dma_wait3A_395, %dma_wait3A_396] : memref<500x128xf32, #tpu.memory_space<hbm>> -> memref<500x128xf32, #tpu.memory_space<hbm>>
    tpu.wait_indirect_dma semaphore(%arg14 : memref<!tpu.dma_semaphore, #tpu.memory_space<semaphore_mem>>) src(%dma_wait3A_397 : memref<500x128xf32, #tpu.memory_space<hbm>>) dst(%arg12 : memref<128x128xf32, #tpu.memory_space<vmem>>)
    %mul3A_398 = arith.constant 4 : i32
    %mul3A_399 = arith.muli %add3A, %mul3A_398 : i32
    %add3A_400 = arith.constant 2 : i32
    %add3A_401 = arith.addi %mul3A_399, %add3A_400 : i32
    %mul3A_402 = arith.constant 128 : i32
    %mul3A_403 = arith.muli %add3A_401, %mul3A_402 : i32
    "tpu.region"() ({
      %run_scoped3A = tpu.sem_alloc : memref<!tpu.dma_semaphore, #tpu.memory_space<semaphore_mem>>
      %dma_start3A_417 = arith.constant 0 : i32
      %dma_start3A_418 = tpu.memref_slice %arg10[%mul3A_403, %dma_start3A_417] : memref<16384x128xf32, #tpu.memory_space<hbm>> -> memref<128x128xf32, #tpu.memory_space<hbm>>
      %dma_start3A_419 = arith.constant 0 : i32
      %dma_start3A_420 = tpu.memref_slice %arg10[%mul3A_403, %dma_start3A_419] : memref<16384x128xf32, #tpu.memory_space<hbm>> -> memref<128x128xf32, #tpu.memory_space<hbm>>
      tpu.enqueue_dma source(%arg12 : memref<128x128xf32, #tpu.memory_space<vmem>>) target(%dma_start3A_420 : memref<128x128xf32, #tpu.memory_space<hbm>>) target_semaphore(%run_scoped3A : memref<!tpu.dma_semaphore, #tpu.memory_space<semaphore_mem>>)
      %dma_wait3A_421 = arith.constant 0 : i32
      %dma_wait3A_422 = tpu.memref_slice %arg10[%mul3A_403, %dma_wait3A_421] : memref<16384x128xf32, #tpu.memory_space<hbm>> -> memref<128x128xf32, #tpu.memory_space<hbm>>
      %dma_wait3A_423 = arith.constant 0 : i32
      %dma_wait3A_424 = tpu.memref_slice %arg10[%mul3A_403, %dma_wait3A_423] : memref<16384x128xf32, #tpu.memory_space<hbm>> -> memref<128x128xf32, #tpu.memory_space<hbm>>
      tpu.wait_dma2 semaphore(%run_scoped3A : memref<!tpu.dma_semaphore, #tpu.memory_space<semaphore_mem>>) src(%arg12 : memref<128x128xf32, #tpu.memory_space<vmem>>) dst(%dma_wait3A_424 : memref<128x128xf32, #tpu.memory_space<hbm>>)
      tpu.yield
    }) : () -> ()
    %dma_wait3A_404 = arith.constant 19 : i32
    %dma_wait3A_405 = arith.constant 0 : i32
    %dma_wait3A_406 = tpu.memref_slice %arg11[%dma_wait3A_404, %dma_wait3A_405] : memref<20x128xi32, #tpu.memory_space<vmem>> -> memref<1x128xi32, #tpu.memory_space<vmem>>
    %dma_wait3A_407 = tpu.memref_squeeze %dma_wait3A_406 : memref<1x128xi32, #tpu.memory_space<vmem>> -> memref<128xi32, #tpu.memory_space<vmem>>
    %dma_wait3A_408 = arith.constant 0 : i32
    %dma_wait3A_409 = arith.constant 0 : i32
    %dma_wait3A_410 = tpu.memref_slice %arg3[%dma_wait3A_408, %dma_wait3A_409] : memref<500x128xf32, #tpu.memory_space<hbm>> -> memref<500x128xf32, #tpu.memory_space<hbm>>
    tpu.wait_indirect_dma semaphore(%arg15 : memref<!tpu.dma_semaphore, #tpu.memory_space<semaphore_mem>>) src(%dma_wait3A_410 : memref<500x128xf32, #tpu.memory_space<hbm>>) dst(%arg13 : memref<128x128xf32, #tpu.memory_space<vmem>>)
    %mul3A_411 = arith.constant 4 : i32
    %mul3A_412 = arith.muli %add3A, %mul3A_411 : i32
    %add3A_413 = arith.constant 3 : i32
    %add3A_414 = arith.addi %mul3A_412, %add3A_413 : i32
    %mul3A_415 = arith.constant 128 : i32
    %mul3A_416 = arith.muli %add3A_414, %mul3A_415 : i32
    "tpu.region"() ({
      %run_scoped3A = tpu.sem_alloc : memref<!tpu.dma_semaphore, #tpu.memory_space<semaphore_mem>>
      %dma_start3A_417 = arith.constant 0 : i32
      %dma_start3A_418 = tpu.memref_slice %arg10[%mul3A_416, %dma_start3A_417] : memref<16384x128xf32, #tpu.memory_space<hbm>> -> memref<128x128xf32, #tpu.memory_space<hbm>>
      %dma_start3A_419 = arith.constant 0 : i32
      %dma_start3A_420 = tpu.memref_slice %arg10[%mul3A_416, %dma_start3A_419] : memref<16384x128xf32, #tpu.memory_space<hbm>> -> memref<128x128xf32, #tpu.memory_space<hbm>>
      tpu.enqueue_dma source(%arg13 : memref<128x128xf32, #tpu.memory_space<vmem>>) target(%dma_start3A_420 : memref<128x128xf32, #tpu.memory_space<hbm>>) target_semaphore(%run_scoped3A : memref<!tpu.dma_semaphore, #tpu.memory_space<semaphore_mem>>)
      %dma_wait3A_421 = arith.constant 0 : i32
      %dma_wait3A_422 = tpu.memref_slice %arg10[%mul3A_416, %dma_wait3A_421] : memref<16384x128xf32, #tpu.memory_space<hbm>> -> memref<128x128xf32, #tpu.memory_space<hbm>>
      %dma_wait3A_423 = arith.constant 0 : i32
      %dma_wait3A_424 = tpu.memref_slice %arg10[%mul3A_416, %dma_wait3A_423] : memref<16384x128xf32, #tpu.memory_space<hbm>> -> memref<128x128xf32, #tpu.memory_space<hbm>>
      tpu.wait_dma2 semaphore(%run_scoped3A : memref<!tpu.dma_semaphore, #tpu.memory_space<semaphore_mem>>) src(%arg13 : memref<128x128xf32, #tpu.memory_space<vmem>>) dst(%dma_wait3A_424 : memref<128x128xf32, #tpu.memory_space<hbm>>)
      tpu.yield
    }) : () -> ()
    return
  }
}

module attributes {stable_mosaic.version = 14 : i64} {
  func.func @_pack_body(%arg0: memref<64x1000000xf32, #tpu.memory_space<hbm>>, %arg1: memref<800x128xf32, #tpu.memory_space<hbm>>, %arg2: memref<500000x128xf32, #tpu.memory_space<hbm>>, %arg3: memref<64x12800xf32, #tpu.memory_space<vmem>>, %arg4: memref<64x12800xf32, #tpu.memory_space<vmem>>, %arg5: memref<6400x128xf32, #tpu.memory_space<vmem>>, %arg6: memref<6400x128xf32, #tpu.memory_space<vmem>>, %arg7: memref<!tpu.dma_semaphore, #tpu.memory_space<semaphore_mem>>, %arg8: memref<!tpu.dma_semaphore, #tpu.memory_space<semaphore_mem>>, %arg9: memref<!tpu.dma_semaphore, #tpu.memory_space<semaphore_mem>>, %arg10: memref<!tpu.dma_semaphore, #tpu.memory_space<semaphore_mem>>) attributes {dimension_semantics = [], scalar_prefetch = 0 : i64, scratch_operands = 8 : i64, tpu.core_type = #tpu.core_type<tc>} {
    %multiple_of3A = arith.constant 0 : i32
    %multiple_of3A_0 = tpu.assume_multiple %multiple_of3A, 128 : i32
    %dma_start3A = arith.constant 0 : i32
    %dma_start3A_1 = tpu.memref_slice %arg0[%dma_start3A, %multiple_of3A_0] : memref<64x1000000xf32, #tpu.memory_space<hbm>> -> memref<64x12800xf32, #tpu.memory_space<hbm>>
    tpu.enqueue_dma source(%dma_start3A_1 : memref<64x12800xf32, #tpu.memory_space<hbm>>) target(%arg3 : memref<64x12800xf32, #tpu.memory_space<vmem>>) target_semaphore(%arg7 : memref<!tpu.dma_semaphore, #tpu.memory_space<semaphore_mem>>)
    %scan3A = arith.constant 0 : i32
    %scan3A_2 = arith.constant 39 : i32
    %scan3A_3 = arith.addi %scan3A, %scan3A_2 : i32
    %scan3A_4 = arith.constant 1 : i32
    scf.for %scan3A_17 = %scan3A to %scan3A_3 step %scan3A_4  : i32 {
      %mul3A = arith.constant 1 : i32
      %mul3A_18 = arith.muli %scan3A_17, %mul3A : i32
      %add3A = arith.constant 0 : i32
      %add3A_19 = arith.addi %add3A, %mul3A_18 : i32
      %mul3A_20 = arith.constant 2 : i32
      %mul3A_21 = arith.muli %add3A_19, %mul3A_20 : i32
      %add3A_22 = arith.constant 1 : i32
      %add3A_23 = arith.addi %mul3A_21, %add3A_22 : i32
      %mul3A_24 = arith.constant 12800 : i32
      %mul3A_25 = arith.muli %add3A_23, %mul3A_24 : i32
      %multiple_of3A_26 = tpu.assume_multiple %mul3A_25, 128 : i32
      %dma_start3A_27 = arith.constant 0 : i32
      %dma_start3A_28 = tpu.memref_slice %arg0[%dma_start3A_27, %multiple_of3A_26] : memref<64x1000000xf32, #tpu.memory_space<hbm>> -> memref<64x12800xf32, #tpu.memory_space<hbm>>
      tpu.enqueue_dma source(%dma_start3A_28 : memref<64x12800xf32, #tpu.memory_space<hbm>>) target(%arg4 : memref<64x12800xf32, #tpu.memory_space<vmem>>) target_semaphore(%arg8 : memref<!tpu.dma_semaphore, #tpu.memory_space<semaphore_mem>>)
      %dma_wait3A_29 = arith.constant 0 : i32
      %dma_wait3A_30 = arith.constant 0 : i32
      %dma_wait3A_31 = tpu.memref_slice %arg0[%dma_wait3A_29, %dma_wait3A_30] : memref<64x1000000xf32, #tpu.memory_space<hbm>> -> memref<64x12800xf32, #tpu.memory_space<hbm>>
      tpu.wait_dma2 semaphore(%arg7 : memref<!tpu.dma_semaphore, #tpu.memory_space<semaphore_mem>>) src(%dma_wait3A_31 : memref<64x12800xf32, #tpu.memory_space<hbm>>) dst(%arg3 : memref<64x12800xf32, #tpu.memory_space<vmem>>)
      %gt3A = arith.constant 0 : i32
      %gt3A_32 = arith.cmpi sgt, %add3A_19, %gt3A : i32
      %convert_element_type3A = arith.extui %gt3A_32 : i1 to i32
      %cond3A = arith.constant 0 : i32
      %cond3A_33 = arith.cmpi ne, %convert_element_type3A, %cond3A : i32
      scf.if %cond3A_33 {
        %dma_wait3A_78 = arith.constant 0 : i32
        %dma_wait3A_79 = arith.constant 0 : i32
        %dma_wait3A_80 = tpu.memref_slice %arg2[%dma_wait3A_78, %dma_wait3A_79] : memref<500000x128xf32, #tpu.memory_space<hbm>> -> memref<6400x128xf32, #tpu.memory_space<hbm>>
        tpu.wait_dma2 semaphore(%arg9 : memref<!tpu.dma_semaphore, #tpu.memory_space<semaphore_mem>>) src(%arg5 : memref<6400x128xf32, #tpu.memory_space<vmem>>) dst(%dma_wait3A_80 : memref<6400x128xf32, #tpu.memory_space<hbm>>)
      } else {
      }
      %get3A = arith.constant 0 : index
      %get3A_34 = arith.constant 0 : index
      %get3A_35 = vector.load %arg3[%get3A, %get3A_34] : memref<64x12800xf32, #tpu.memory_space<vmem>>, vector<64x12800xf32>
      %transpose3A = tpu.transpose %get3A_35, [1, 0] : vector<64x12800xf32> -> vector<12800x64xf32>
      %slice3A = vector.extract_strided_slice %transpose3A {offsets = [0, 0], sizes = [6400, 64], strides = [1, 1]} : vector<12800x64xf32> to vector<6400x64xf32>
      %swap3A = arith.constant 0 : index
      %swap3A_36 = arith.constant 0 : index
      %swap3A_37 = vector.load %arg5[%swap3A, %swap3A_36] : memref<6400x128xf32, #tpu.memory_space<vmem>>, vector<6400x64xf32>
      tpu.vector_store %arg5[%swap3A, %swap3A_36], %slice3A {strides = array<i32>} : memref<6400x128xf32, #tpu.memory_space<vmem>>, vector<6400x64xf32>,
      %slice3A_38 = vector.extract_strided_slice %transpose3A {offsets = [6400, 0], sizes = [6400, 64], strides = [1, 1]} : vector<12800x64xf32> to vector<6400x64xf32>
      %swap3A_39 = arith.constant 0 : index
      %swap3A_40 = arith.constant 64 : index
      %swap3A_41 = vector.load %arg5[%swap3A_39, %swap3A_40] : memref<6400x128xf32, #tpu.memory_space<vmem>>, vector<6400x64xf32>
      tpu.vector_store %arg5[%swap3A_39, %swap3A_40], %slice3A_38 {strides = array<i32>} : memref<6400x128xf32, #tpu.memory_space<vmem>>, vector<6400x64xf32>,
      %mul3A_42 = arith.constant 6400 : i32
      %mul3A_43 = arith.muli %mul3A_21, %mul3A_42 : i32
      %multiple_of3A_44 = tpu.assume_multiple %mul3A_43, 8 : i32
      %dma_start3A_45 = arith.constant 0 : i32
      %dma_start3A_46 = tpu.memref_slice %arg2[%multiple_of3A_44, %dma_start3A_45] : memref<500000x128xf32, #tpu.memory_space<hbm>> -> memref<6400x128xf32, #tpu.memory_space<hbm>>
      tpu.enqueue_dma source(%arg5 : memref<6400x128xf32, #tpu.memory_space<vmem>>) target(%dma_start3A_46 : memref<6400x128xf32, #tpu.memory_space<hbm>>) target_semaphore(%arg9 : memref<!tpu.dma_semaphore, #tpu.memory_space<semaphore_mem>>)
      %lt3A = arith.constant 38 : i32
      %lt3A_47 = arith.cmpi slt, %add3A_19, %lt3A : i32
      %convert_element_type3A_48 = arith.extui %lt3A_47 : i1 to i32
      %cond3A_49 = arith.constant 0 : i32
      %cond3A_50 = arith.cmpi ne, %convert_element_type3A_48, %cond3A_49 : i32
      scf.if %cond3A_50 {
        %add3A_78 = arith.constant 2 : i32
        %add3A_79 = arith.addi %mul3A_21, %add3A_78 : i32
        %mul3A_80 = arith.constant 12800 : i32
        %mul3A_81 = arith.muli %add3A_79, %mul3A_80 : i32
        %multiple_of3A_82 = tpu.assume_multiple %mul3A_81, 128 : i32
        %dma_start3A_83 = arith.constant 0 : i32
        %dma_start3A_84 = tpu.memref_slice %arg0[%dma_start3A_83, %multiple_of3A_82] : memref<64x1000000xf32, #tpu.memory_space<hbm>> -> memref<64x12800xf32, #tpu.memory_space<hbm>>
        tpu.enqueue_dma source(%dma_start3A_84 : memref<64x12800xf32, #tpu.memory_space<hbm>>) target(%arg3 : memref<64x12800xf32, #tpu.memory_space<vmem>>) target_semaphore(%arg7 : memref<!tpu.dma_semaphore, #tpu.memory_space<semaphore_mem>>)
      } else {
      }
      %dma_wait3A_51 = arith.constant 0 : i32
      %dma_wait3A_52 = arith.constant 0 : i32
      %dma_wait3A_53 = tpu.memref_slice %arg0[%dma_wait3A_51, %dma_wait3A_52] : memref<64x1000000xf32, #tpu.memory_space<hbm>> -> memref<64x12800xf32, #tpu.memory_space<hbm>>
      tpu.wait_dma2 semaphore(%arg8 : memref<!tpu.dma_semaphore, #tpu.memory_space<semaphore_mem>>) src(%dma_wait3A_53 : memref<64x12800xf32, #tpu.memory_space<hbm>>) dst(%arg4 : memref<64x12800xf32, #tpu.memory_space<vmem>>)
      %gt3A_54 = arith.constant 0 : i32
      %gt3A_55 = arith.cmpi sgt, %add3A_19, %gt3A_54 : i32
      %convert_element_type3A_56 = arith.extui %gt3A_55 : i1 to i32
      %cond3A_57 = arith.constant 0 : i32
      %cond3A_58 = arith.cmpi ne, %convert_element_type3A_56, %cond3A_57 : i32
      scf.if %cond3A_58 {
        %dma_wait3A_78 = arith.constant 0 : i32
        %dma_wait3A_79 = arith.constant 0 : i32
        %dma_wait3A_80 = tpu.memref_slice %arg2[%dma_wait3A_78, %dma_wait3A_79] : memref<500000x128xf32, #tpu.memory_space<hbm>> -> memref<6400x128xf32, #tpu.memory_space<hbm>>
        tpu.wait_dma2 semaphore(%arg10 : memref<!tpu.dma_semaphore, #tpu.memory_space<semaphore_mem>>) src(%arg6 : memref<6400x128xf32, #tpu.memory_space<vmem>>) dst(%dma_wait3A_80 : memref<6400x128xf32, #tpu.memory_space<hbm>>)
      } else {
      }
      %get3A_59 = arith.constant 0 : index
      %get3A_60 = arith.constant 0 : index
      %get3A_61 = vector.load %arg4[%get3A_59, %get3A_60] : memref<64x12800xf32, #tpu.memory_space<vmem>>, vector<64x12800xf32>
      %transpose3A_62 = tpu.transpose %get3A_61, [1, 0] : vector<64x12800xf32> -> vector<12800x64xf32>
      %slice3A_63 = vector.extract_strided_slice %transpose3A_62 {offsets = [0, 0], sizes = [6400, 64], strides = [1, 1]} : vector<12800x64xf32> to vector<6400x64xf32>
      %swap3A_64 = arith.constant 0 : index
      %swap3A_65 = arith.constant 0 : index
      %swap3A_66 = vector.load %arg6[%swap3A_64, %swap3A_65] : memref<6400x128xf32, #tpu.memory_space<vmem>>, vector<6400x64xf32>
      tpu.vector_store %arg6[%swap3A_64, %swap3A_65], %slice3A_63 {strides = array<i32>} : memref<6400x128xf32, #tpu.memory_space<vmem>>, vector<6400x64xf32>,
      %slice3A_67 = vector.extract_strided_slice %transpose3A_62 {offsets = [6400, 0], sizes = [6400, 64], strides = [1, 1]} : vector<12800x64xf32> to vector<6400x64xf32>
      %swap3A_68 = arith.constant 0 : index
      %swap3A_69 = arith.constant 64 : index
      %swap3A_70 = vector.load %arg6[%swap3A_68, %swap3A_69] : memref<6400x128xf32, #tpu.memory_space<vmem>>, vector<6400x64xf32>
      tpu.vector_store %arg6[%swap3A_68, %swap3A_69], %slice3A_67 {strides = array<i32>} : memref<6400x128xf32, #tpu.memory_space<vmem>>, vector<6400x64xf32>,
      %add3A_71 = arith.constant 1 : i32
      %add3A_72 = arith.addi %mul3A_21, %add3A_71 : i32
      %mul3A_73 = arith.constant 6400 : i32
      %mul3A_74 = arith.muli %add3A_72, %mul3A_73 : i32
      %multiple_of3A_75 = tpu.assume_multiple %mul3A_74, 8 : i32
      %dma_start3A_76 = arith.constant 0 : i32
      %dma_start3A_77 = tpu.memref_slice %arg2[%multiple_of3A_75, %dma_start3A_76] : memref<500000x128xf32, #tpu.memory_space<hbm>> -> memref<6400x128xf32, #tpu.memory_space<hbm>>
      tpu.enqueue_dma source(%arg6 : memref<6400x128xf32, #tpu.memory_space<vmem>>) target(%dma_start3A_77 : memref<6400x128xf32, #tpu.memory_space<hbm>>) target_semaphore(%arg10 : memref<!tpu.dma_semaphore, #tpu.memory_space<semaphore_mem>>)
    }
    %scan3A_5 = arith.constant 39 : i32
    %dma_wait3A = arith.constant 0 : i32
    %dma_wait3A_6 = arith.constant 0 : i32
    %dma_wait3A_7 = tpu.memref_slice %arg2[%dma_wait3A, %dma_wait3A_6] : memref<500000x128xf32, #tpu.memory_space<hbm>> -> memref<6400x128xf32, #tpu.memory_space<hbm>>
    tpu.wait_dma2 semaphore(%arg9 : memref<!tpu.dma_semaphore, #tpu.memory_space<semaphore_mem>>) src(%arg5 : memref<6400x128xf32, #tpu.memory_space<vmem>>) dst(%dma_wait3A_7 : memref<6400x128xf32, #tpu.memory_space<hbm>>)
    %dma_wait3A_8 = arith.constant 0 : i32
    %dma_wait3A_9 = arith.constant 0 : i32
    %dma_wait3A_10 = tpu.memref_slice %arg2[%dma_wait3A_8, %dma_wait3A_9] : memref<500000x128xf32, #tpu.memory_space<hbm>> -> memref<6400x128xf32, #tpu.memory_space<hbm>>
    tpu.wait_dma2 semaphore(%arg10 : memref<!tpu.dma_semaphore, #tpu.memory_space<semaphore_mem>>) src(%arg6 : memref<6400x128xf32, #tpu.memory_space<vmem>>) dst(%dma_wait3A_10 : memref<6400x128xf32, #tpu.memory_space<hbm>>)
    %dma_start3A_11 = arith.constant 499200 : i32
    %dma_start3A_12 = arith.constant 0 : i32
    %dma_start3A_13 = tpu.memref_slice %arg2[%dma_start3A_11, %dma_start3A_12] : memref<500000x128xf32, #tpu.memory_space<hbm>> -> memref<800x128xf32, #tpu.memory_space<hbm>>
    tpu.enqueue_dma source(%arg1 : memref<800x128xf32, #tpu.memory_space<hbm>>) target(%dma_start3A_13 : memref<800x128xf32, #tpu.memory_space<hbm>>) target_semaphore(%arg9 : memref<!tpu.dma_semaphore, #tpu.memory_space<semaphore_mem>>)
    %dma_wait3A_14 = arith.constant 499200 : i32
    %dma_wait3A_15 = arith.constant 0 : i32
    %dma_wait3A_16 = tpu.memref_slice %arg2[%dma_wait3A_14, %dma_wait3A_15] : memref<500000x128xf32, #tpu.memory_space<hbm>> -> memref<800x128xf32, #tpu.memory_space<hbm>>
    tpu.wait_dma2 semaphore(%arg9 : memref<!tpu.dma_semaphore, #tpu.memory_space<semaphore_mem>>) src(%arg1 : memref<800x128xf32, #tpu.memory_space<hbm>>) dst(%dma_wait3A_16 : memref<800x128xf32, #tpu.memory_space<hbm>>)
    return
  }
}

module attributes {stable_mosaic.version = 14 : i64} {
  func.func @_loss_body(%arg0: i32, %arg1: memref<2048x128xf32, #tpu.memory_space<vmem>>, %arg2: memref<2048x128xf32, #tpu.memory_space<vmem>>, %arg3: memref<2048x128xf32, #tpu.memory_space<vmem>>, %arg4: memref<2048x128xf32, #tpu.memory_space<vmem>>, %arg5: memref<2048x128xf32, #tpu.memory_space<vmem>>, %arg6: memref<2048x1xi32, #tpu.memory_space<vmem>>, %arg7: memref<1x1xf32, #tpu.memory_space<vmem>>) attributes {dimension_semantics = [#tpu.dimension_semantics<arbitrary>], iteration_bounds = array<i64: 8>, scalar_prefetch = 0 : i64, scratch_operands = 0 : i64, tpu.core_type = #tpu.core_type<tc>, window_params = [{transform_indices = @transform_0, window_bounds = array<i64: 2048, 128>}, {transform_indices = @transform_1, window_bounds = array<i64: 2048, 128>}, {transform_indices = @transform_2, window_bounds = array<i64: 2048, 128>}, {transform_indices = @transform_3, window_bounds = array<i64: 2048, 128>}, {transform_indices = @transform_4, window_bounds = array<i64: 2048, 128>}, {transform_indices = @transform_5, window_bounds = array<i64: 2048, 1>}, {pipeline_mode = #tpu.pipeline_mode<synchronous>, transform_indices = @transform_6, window_bounds = array<i64: 1, 1>}]} {
    %get3A = arith.constant 0 : index
    %get3A_0 = arith.constant 0 : index
    %get3A_1 = vector.load %arg6[%get3A, %get3A_0] : memref<2048x1xi32, #tpu.memory_space<vmem>>, vector<2048x1xi32>
    %get3A_2 = arith.constant 0 : index
    %get3A_3 = arith.constant 0 : index
    %get3A_4 = vector.load %arg1[%get3A_2, %get3A_3] : memref<2048x128xf32, #tpu.memory_space<vmem>>, vector<2048x128xf32>
    %shift_right_arithmetic3A = arith.constant 0 : i32
    %shift_right_arithmetic3A_5 = vector.broadcast %shift_right_arithmetic3A : i32 to vector<2048x1xi32>
    %shift_right_arithmetic3A_6 = arith.shrsi %get3A_1, %shift_right_arithmetic3A_5 : vector<2048x1xi32>
    %and3A = arith.constant 1 : i32
    %and3A_7 = vector.broadcast %and3A : i32 to vector<2048x1xi32>
    %and3A_8 = arith.andi %shift_right_arithmetic3A_6, %and3A_7 : vector<2048x1xi32>
    %ne3A = arith.constant 0 : i32
    %ne3A_9 = vector.broadcast %ne3A : i32 to vector<2048x1xi32>
    %ne3A_10 = arith.cmpi ne, %and3A_8, %ne3A_9 : vector<2048x1xi32>
    %slice3A = vector.extract_strided_slice %get3A_4 {offsets = [0, 64], sizes = [2048, 64], strides = [1, 1]} : vector<2048x128xf32> to vector<2048x64xf32>
    %slice3A_11 = vector.extract_strided_slice %get3A_4 {offsets = [0, 0], sizes = [2048, 64], strides = [1, 1]} : vector<2048x128xf32> to vector<2048x64xf32>
    %broadcast_in_dim3A = vector.shape_cast %ne3A_10 : vector<2048x1xi1> to vector<2048x1xi1>
    %broadcast_in_dim3A_12 = vector.broadcast %broadcast_in_dim3A : vector<2048x1xi1> to vector<2048x64xi1>
    %select_n3A = arith.select %broadcast_in_dim3A_12, %slice3A, %slice3A_11 : vector<2048x64xi1>, vector<2048x64xf32>
    %mul3A = arith.mulf %select_n3A, %select_n3A : vector<2048x64xf32>
    %reduce_sum3A = arith.constant dense<0.000000e+00> : vector<2048xf32>
    %reduce_sum3A_13 = vector.multi_reduction <add>, %mul3A, %reduce_sum3A [1] : vector<2048x64xf32> to vector<2048xf32>
    %broadcast_in_dim3A_14 = vector.shape_cast %reduce_sum3A_13 : vector<2048xf32> to vector<2048x1xf32>
    %sqrt3A = math.sqrt %broadcast_in_dim3A_14 : vector<2048x1xf32>
    %add3A = arith.constant 9.99999996E-13 : f32
    %add3A_15 = vector.broadcast %add3A : f32 to vector<2048x1xf32>
    %add3A_16 = arith.addf %sqrt3A, %add3A_15 : vector<2048x1xf32>
    %div3A = arith.constant 1.000000e+00 : f32
    %div3A_17 = vector.broadcast %div3A : f32 to vector<2048x1xf32>
    %div3A_18 = arith.divf %div3A_17, %add3A_16 : vector<2048x1xf32>
    %mul3A_19 = vector.broadcast %div3A_18 : vector<2048x1xf32> to vector<2048x64xf32>
    %mul3A_20 = arith.mulf %select_n3A, %mul3A_19 : vector<2048x64xf32>
    %get3A_21 = arith.constant 0 : index
    %get3A_22 = arith.constant 0 : index
    %get3A_23 = vector.load %arg2[%get3A_21, %get3A_22] : memref<2048x128xf32, #tpu.memory_space<vmem>>, vector<2048x128xf32>
    %shift_right_arithmetic3A_24 = arith.constant 1 : i32
    %shift_right_arithmetic3A_25 = vector.broadcast %shift_right_arithmetic3A_24 : i32 to vector<2048x1xi32>
    %shift_right_arithmetic3A_26 = arith.shrsi %get3A_1, %shift_right_arithmetic3A_25 : vector<2048x1xi32>
    %and3A_27 = arith.constant 1 : i32
    %and3A_28 = vector.broadcast %and3A_27 : i32 to vector<2048x1xi32>
    %and3A_29 = arith.andi %shift_right_arithmetic3A_26, %and3A_28 : vector<2048x1xi32>
    %ne3A_30 = arith.constant 0 : i32
    %ne3A_31 = vector.broadcast %ne3A_30 : i32 to vector<2048x1xi32>
    %ne3A_32 = arith.cmpi ne, %and3A_29, %ne3A_31 : vector<2048x1xi32>
    %slice3A_33 = vector.extract_strided_slice %get3A_23 {offsets = [0, 64], sizes = [2048, 64], strides = [1, 1]} : vector<2048x128xf32> to vector<2048x64xf32>
    %slice3A_34 = vector.extract_strided_slice %get3A_23 {offsets = [0, 0], sizes = [2048, 64], strides = [1, 1]} : vector<2048x128xf32> to vector<2048x64xf32>
    %broadcast_in_dim3A_35 = vector.shape_cast %ne3A_32 : vector<2048x1xi1> to vector<2048x1xi1>
    %broadcast_in_dim3A_36 = vector.broadcast %broadcast_in_dim3A_35 : vector<2048x1xi1> to vector<2048x64xi1>
    %select_n3A_37 = arith.select %broadcast_in_dim3A_36, %slice3A_33, %slice3A_34 : vector<2048x64xi1>, vector<2048x64xf32>
    %mul3A_38 = arith.mulf %select_n3A_37, %select_n3A_37 : vector<2048x64xf32>
    %reduce_sum3A_39 = arith.constant dense<0.000000e+00> : vector<2048xf32>
    %reduce_sum3A_40 = vector.multi_reduction <add>, %mul3A_38, %reduce_sum3A_39 [1] : vector<2048x64xf32> to vector<2048xf32>
    %broadcast_in_dim3A_41 = vector.shape_cast %reduce_sum3A_40 : vector<2048xf32> to vector<2048x1xf32>
    %sqrt3A_42 = math.sqrt %broadcast_in_dim3A_41 : vector<2048x1xf32>
    %add3A_43 = arith.constant 9.99999996E-13 : f32
    %add3A_44 = vector.broadcast %add3A_43 : f32 to vector<2048x1xf32>
    %add3A_45 = arith.addf %sqrt3A_42, %add3A_44 : vector<2048x1xf32>
    %div3A_46 = arith.constant 1.000000e+00 : f32
    %div3A_47 = vector.broadcast %div3A_46 : f32 to vector<2048x1xf32>
    %div3A_48 = arith.divf %div3A_47, %add3A_45 : vector<2048x1xf32>
    %mul3A_49 = vector.broadcast %div3A_48 : vector<2048x1xf32> to vector<2048x64xf32>
    %mul3A_50 = arith.mulf %select_n3A_37, %mul3A_49 : vector<2048x64xf32>
    %get3A_51 = arith.constant 0 : index
    %get3A_52 = arith.constant 0 : index
    %get3A_53 = vector.load %arg3[%get3A_51, %get3A_52] : memref<2048x128xf32, #tpu.memory_space<vmem>>, vector<2048x128xf32>
    %shift_right_arithmetic3A_54 = arith.constant 2 : i32
    %shift_right_arithmetic3A_55 = vector.broadcast %shift_right_arithmetic3A_54 : i32 to vector<2048x1xi32>
    %shift_right_arithmetic3A_56 = arith.shrsi %get3A_1, %shift_right_arithmetic3A_55 : vector<2048x1xi32>
    %and3A_57 = arith.constant 1 : i32
    %and3A_58 = vector.broadcast %and3A_57 : i32 to vector<2048x1xi32>
    %and3A_59 = arith.andi %shift_right_arithmetic3A_56, %and3A_58 : vector<2048x1xi32>
    %ne3A_60 = arith.constant 0 : i32
    %ne3A_61 = vector.broadcast %ne3A_60 : i32 to vector<2048x1xi32>
    %ne3A_62 = arith.cmpi ne, %and3A_59, %ne3A_61 : vector<2048x1xi32>
    %slice3A_63 = vector.extract_strided_slice %get3A_53 {offsets = [0, 64], sizes = [2048, 64], strides = [1, 1]} : vector<2048x128xf32> to vector<2048x64xf32>
    %slice3A_64 = vector.extract_strided_slice %get3A_53 {offsets = [0, 0], sizes = [2048, 64], strides = [1, 1]} : vector<2048x128xf32> to vector<2048x64xf32>
    %broadcast_in_dim3A_65 = vector.shape_cast %ne3A_62 : vector<2048x1xi1> to vector<2048x1xi1>
    %broadcast_in_dim3A_66 = vector.broadcast %broadcast_in_dim3A_65 : vector<2048x1xi1> to vector<2048x64xi1>
    %select_n3A_67 = arith.select %broadcast_in_dim3A_66, %slice3A_63, %slice3A_64 : vector<2048x64xi1>, vector<2048x64xf32>
    %mul3A_68 = arith.mulf %select_n3A_67, %select_n3A_67 : vector<2048x64xf32>
    %reduce_sum3A_69 = arith.constant dense<0.000000e+00> : vector<2048xf32>
    %reduce_sum3A_70 = vector.multi_reduction <add>, %mul3A_68, %reduce_sum3A_69 [1] : vector<2048x64xf32> to vector<2048xf32>
    %broadcast_in_dim3A_71 = vector.shape_cast %reduce_sum3A_70 : vector<2048xf32> to vector<2048x1xf32>
    %sqrt3A_72 = math.sqrt %broadcast_in_dim3A_71 : vector<2048x1xf32>
    %add3A_73 = arith.constant 9.99999996E-13 : f32
    %add3A_74 = vector.broadcast %add3A_73 : f32 to vector<2048x1xf32>
    %add3A_75 = arith.addf %sqrt3A_72, %add3A_74 : vector<2048x1xf32>
    %div3A_76 = arith.constant 1.000000e+00 : f32
    %div3A_77 = vector.broadcast %div3A_76 : f32 to vector<2048x1xf32>
    %div3A_78 = arith.divf %div3A_77, %add3A_75 : vector<2048x1xf32>
    %mul3A_79 = vector.broadcast %div3A_78 : vector<2048x1xf32> to vector<2048x64xf32>
    %mul3A_80 = arith.mulf %select_n3A_67, %mul3A_79 : vector<2048x64xf32>
    %get3A_81 = arith.constant 0 : index
    %get3A_82 = arith.constant 0 : index
    %get3A_83 = vector.load %arg4[%get3A_81, %get3A_82] : memref<2048x128xf32, #tpu.memory_space<vmem>>, vector<2048x128xf32>
    %shift_right_arithmetic3A_84 = arith.constant 3 : i32
    %shift_right_arithmetic3A_85 = vector.broadcast %shift_right_arithmetic3A_84 : i32 to vector<2048x1xi32>
    %shift_right_arithmetic3A_86 = arith.shrsi %get3A_1, %shift_right_arithmetic3A_85 : vector<2048x1xi32>
    %and3A_87 = arith.constant 1 : i32
    %and3A_88 = vector.broadcast %and3A_87 : i32 to vector<2048x1xi32>
    %and3A_89 = arith.andi %shift_right_arithmetic3A_86, %and3A_88 : vector<2048x1xi32>
    %ne3A_90 = arith.constant 0 : i32
    %ne3A_91 = vector.broadcast %ne3A_90 : i32 to vector<2048x1xi32>
    %ne3A_92 = arith.cmpi ne, %and3A_89, %ne3A_91 : vector<2048x1xi32>
    %slice3A_93 = vector.extract_strided_slice %get3A_83 {offsets = [0, 64], sizes = [2048, 64], strides = [1, 1]} : vector<2048x128xf32> to vector<2048x64xf32>
    %slice3A_94 = vector.extract_strided_slice %get3A_83 {offsets = [0, 0], sizes = [2048, 64], strides = [1, 1]} : vector<2048x128xf32> to vector<2048x64xf32>
    %broadcast_in_dim3A_95 = vector.shape_cast %ne3A_92 : vector<2048x1xi1> to vector<2048x1xi1>
    %broadcast_in_dim3A_96 = vector.broadcast %broadcast_in_dim3A_95 : vector<2048x1xi1> to vector<2048x64xi1>
    %select_n3A_97 = arith.select %broadcast_in_dim3A_96, %slice3A_93, %slice3A_94 : vector<2048x64xi1>, vector<2048x64xf32>
    %mul3A_98 = arith.mulf %select_n3A_97, %select_n3A_97 : vector<2048x64xf32>
    %reduce_sum3A_99 = arith.constant dense<0.000000e+00> : vector<2048xf32>
    %reduce_sum3A_100 = vector.multi_reduction <add>, %mul3A_98, %reduce_sum3A_99 [1] : vector<2048x64xf32> to vector<2048xf32>
    %broadcast_in_dim3A_101 = vector.shape_cast %reduce_sum3A_100 : vector<2048xf32> to vector<2048x1xf32>
    %sqrt3A_102 = math.sqrt %broadcast_in_dim3A_101 : vector<2048x1xf32>
    %add3A_103 = arith.constant 9.99999996E-13 : f32
    %add3A_104 = vector.broadcast %add3A_103 : f32 to vector<2048x1xf32>
    %add3A_105 = arith.addf %sqrt3A_102, %add3A_104 : vector<2048x1xf32>
    %div3A_106 = arith.constant 1.000000e+00 : f32
    %div3A_107 = vector.broadcast %div3A_106 : f32 to vector<2048x1xf32>
    %div3A_108 = arith.divf %div3A_107, %add3A_105 : vector<2048x1xf32>
    %mul3A_109 = vector.broadcast %div3A_108 : vector<2048x1xf32> to vector<2048x64xf32>
    %mul3A_110 = arith.mulf %select_n3A_97, %mul3A_109 : vector<2048x64xf32>
    %get3A_111 = arith.constant 0 : index
    %get3A_112 = arith.constant 0 : index
    %get3A_113 = vector.load %arg5[%get3A_111, %get3A_112] : memref<2048x128xf32, #tpu.memory_space<vmem>>, vector<2048x128xf32>
    %shift_right_arithmetic3A_114 = arith.constant 4 : i32
    %shift_right_arithmetic3A_115 = vector.broadcast %shift_right_arithmetic3A_114 : i32 to vector<2048x1xi32>
    %shift_right_arithmetic3A_116 = arith.shrsi %get3A_1, %shift_right_arithmetic3A_115 : vector<2048x1xi32>
    %and3A_117 = arith.constant 1 : i32
    %and3A_118 = vector.broadcast %and3A_117 : i32 to vector<2048x1xi32>
    %and3A_119 = arith.andi %shift_right_arithmetic3A_116, %and3A_118 : vector<2048x1xi32>
    %ne3A_120 = arith.constant 0 : i32
    %ne3A_121 = vector.broadcast %ne3A_120 : i32 to vector<2048x1xi32>
    %ne3A_122 = arith.cmpi ne, %and3A_119, %ne3A_121 : vector<2048x1xi32>
    %slice3A_123 = vector.extract_strided_slice %get3A_113 {offsets = [0, 64], sizes = [2048, 64], strides = [1, 1]} : vector<2048x128xf32> to vector<2048x64xf32>
    %slice3A_124 = vector.extract_strided_slice %get3A_113 {offsets = [0, 0], sizes = [2048, 64], strides = [1, 1]} : vector<2048x128xf32> to vector<2048x64xf32>
    %broadcast_in_dim3A_125 = vector.shape_cast %ne3A_122 : vector<2048x1xi1> to vector<2048x1xi1>
    %broadcast_in_dim3A_126 = vector.broadcast %broadcast_in_dim3A_125 : vector<2048x1xi1> to vector<2048x64xi1>
    %select_n3A_127 = arith.select %broadcast_in_dim3A_126, %slice3A_123, %slice3A_124 : vector<2048x64xi1>, vector<2048x64xf32>
    %add3A_128 = arith.addf %mul3A_20, %select_n3A_127 : vector<2048x64xf32>
    %sub3A = arith.subf %add3A_128, %mul3A_50 : vector<2048x64xf32>
    %abs3A = math.absf %sub3A : vector<2048x64xf32>
    %reduce_sum3A_129 = arith.constant dense<0.000000e+00> : vector<2048xf32>
    %reduce_sum3A_130 = vector.multi_reduction <add>, %abs3A, %reduce_sum3A_129 [1] : vector<2048x64xf32> to vector<2048xf32>
    %add3A_131 = arith.addf %mul3A_80, %select_n3A_127 : vector<2048x64xf32>
    %sub3A_132 = arith.subf %add3A_131, %mul3A_110 : vector<2048x64xf32>
    %abs3A_133 = math.absf %sub3A_132 : vector<2048x64xf32>
    %reduce_sum3A_134 = arith.constant dense<0.000000e+00> : vector<2048xf32>
    %reduce_sum3A_135 = vector.multi_reduction <add>, %abs3A_133, %reduce_sum3A_134 [1] : vector<2048x64xf32> to vector<2048xf32>
    %add3A_136 = arith.constant 1.000000e+00 : f32
    %add3A_137 = vector.broadcast %add3A_136 : f32 to vector<2048xf32>
    %add3A_138 = arith.addf %add3A_137, %reduce_sum3A_130 : vector<2048xf32>
    %sub3A_139 = arith.subf %add3A_138, %reduce_sum3A_135 : vector<2048xf32>
    %max3A = arith.constant 0.000000e+00 : f32
    %max3A_140 = vector.broadcast %max3A : f32 to vector<2048xf32>
    %max3A_141 = arith.maximumf %sub3A_139, %max3A_140 : vector<2048xf32>
    %reduce_sum3A_142 = vector.shape_cast %max3A_141 : vector<2048xf32> to vector<1x2048xf32>
    %reduce_sum3A_143 = arith.constant dense<0.000000e+00> : vector<1xf32>
    %reduce_sum3A_144 = vector.multi_reduction <add>, %reduce_sum3A_142, %reduce_sum3A_143 [1] : vector<1x2048xf32> to vector<1xf32>
    %reduce_sum3A_145 = vector.shape_cast %reduce_sum3A_144 : vector<1xf32> to vector<1x1xf32>
    %reduce_sum3A_146 = vector.extract %reduce_sum3A_145[0, 0] : f32 from vector<1x1xf32>
    %mul3A_147 = arith.constant 6.10351563E-5 : f32
    %mul3A_148 = arith.mulf %reduce_sum3A_146, %mul3A_147 : f32
    %eq3A = arith.constant 0 : i32
    %eq3A_149 = arith.cmpi eq, %arg0, %eq3A : i32
    %convert_element_type3A = arith.extui %eq3A_149 : i1 to i32
    %cond3A = arith.constant 0 : i32
    %cond3A_150 = arith.cmpi ne, %convert_element_type3A, %cond3A : i32
    scf.if %cond3A_150 {
      %broadcast_in_dim3A_157 = arith.constant 0.000000e+00 : f32
      %broadcast_in_dim3A_158 = vector.broadcast %broadcast_in_dim3A_157 : f32 to vector<1x1xf32>
      %swap3A_159 = arith.constant 0 : index
      %swap3A_160 = arith.constant 0 : index
      %swap3A_161 = vector.load %arg7[%swap3A_159, %swap3A_160] : memref<1x1xf32, #tpu.memory_space<vmem>>, vector<1x1xf32>
      tpu.vector_store %arg7[%swap3A_159, %swap3A_160], %broadcast_in_dim3A_158 {strides = array<i32>} : memref<1x1xf32, #tpu.memory_space<vmem>>, vector<1x1xf32>,
    } else {
    }
    %get3A_151 = arith.constant 0 : index
    %get3A_152 = arith.constant 0 : index
    %get3A_153 = vector.load %arg7[%get3A_151, %get3A_152] : memref<1x1xf32, #tpu.memory_space<vmem>>, vector<1x1xf32>
    %reshape3A = vector.broadcast %mul3A_148 : f32 to vector<1x1xf32>
    %add3A_154 = arith.addf %get3A_153, %reshape3A : vector<1x1xf32>
    %swap3A = arith.constant 0 : index
    %swap3A_155 = arith.constant 0 : index
    %swap3A_156 = vector.load %arg7[%swap3A, %swap3A_155] : memref<1x1xf32, #tpu.memory_space<vmem>>, vector<1x1xf32>
    tpu.vector_store %arg7[%swap3A, %swap3A_155], %add3A_154 {strides = array<i32>} : memref<1x1xf32, #tpu.memory_space<vmem>>, vector<1x1xf32>,
    return
  }
  func.func @transform_0(%arg0: i32) -> (i32, i32) {
    %c0_i32 = arith.constant 0 : i32
    %c0_i32_0 = arith.constant 0 : i32
    return %arg0, %c0_i32 : i32, i32
  }
  func.func @transform_1(%arg0: i32) -> (i32, i32) {
    %c0_i32 = arith.constant 0 : i32
    %c0_i32_0 = arith.constant 0 : i32
    return %arg0, %c0_i32 : i32, i32
  }
  func.func @transform_2(%arg0: i32) -> (i32, i32) {
    %c0_i32 = arith.constant 0 : i32
    %c0_i32_0 = arith.constant 0 : i32
    return %arg0, %c0_i32 : i32, i32
  }
  func.func @transform_3(%arg0: i32) -> (i32, i32) {
    %c0_i32 = arith.constant 0 : i32
    %c0_i32_0 = arith.constant 0 : i32
    return %arg0, %c0_i32 : i32, i32
  }
  func.func @transform_4(%arg0: i32) -> (i32, i32) {
    %c0_i32 = arith.constant 0 : i32
    %c0_i32_0 = arith.constant 0 : i32
    return %arg0, %c0_i32 : i32, i32
  }
  func.func @transform_5(%arg0: i32) -> (i32, i32) {
    %c0_i32 = arith.constant 0 : i32
    %c0_i32_0 = arith.constant 0 : i32
    return %arg0, %c0_i32 : i32, i32
  }
  func.func @transform_6(%arg0: i32) -> (i32, i32) {
    %c0_i32 = arith.constant 0 : i32
    %c0_i32_0 = arith.constant 0 : i32
    %c0_i32_1 = arith.constant 0 : i32
    return %c0_i32, %c0_i32_0 : i32, i32
  }
}

</mosaic_0001>

<sc_bundles>
// kernel: kernel.5.cloned.1.call-start
scs
__scs_entry_jumppad:
0x0: {  	(pc) =	sbr.rel $0x88, $3  }
0x1: {  	(tag) =	ssettag $0x0;
	lr =	simm.s32 $0x1  }
0x2: {  	[smem:$0x3F9A] =	sst lr;
	_ =	strace $0xD0000000  }
0x3: {  	_ = 	snop  }
0x4: {  	_ = 	snop  }
0x5: {  	_ = 	snop  }
0x6: {  	_ = 	snop  }
0x7: {  	_ = 	snop  }
__scs_overlays_trampoline_lowered:
0x8: {  	[smem:$0x3FA9] =	sst s0  }
0x9: {  	[smem:$0x3FAA] =	sst s1  }
0xa: {  	[smem:$0x3FAB] =	sst s2  }
0xb: {  	[smem:$0x3FAC] =	sst s3  }
0xc: {  	[smem:$0x3FAD] =	sst s4  }
0xd: {  	[smem:$0x3FAE] =	sst s5  }
0xe: {  	[smem:$0x3FAF] =	sst s6  }
0xf: {  	[smem:$0x3FB0] =	sst s7  }
0x10: {  	[smem:$0x3FB1] =	sst s8  }
0x11: {  	[smem:$0x3FB2] =	sst s9;
	s0 =	simm.s32 @!p0 $0x0  }
0x12: {  	s1 =	sld [smem:$0x3F98];
	s0 =	simm.s32 @p0 $0x1  }
0x13: {  	[smem:$0x3FB3] =	sst s0;
	s0 =	simm.s32 @!p1 $0x0  }
0x14: {  	s2 =	sld [smem:$0x3F97];
	s0 =	simm.s32 @p1 $0x1  }
0x15: {  	[smem:$0x3FB4] =	sst s0;
	s0 =	simm.s32 @!p2 $0x0  }
0x16: {  	s3 =	sld [smem:$0x3FDB];
	s0 =	simm.s32 @p2 $0x1  }
0x17: {  	s4 =	simm.s32 $0x1BF5;
	[smem:$0x3FB6] =	sst s0  }
0x18: {  	s0 =	sld [smem:$0x3F99];
	_ =	swait.ge [sflag:s4], $0x0  }
0x19: {  	s7 =	sld [smem:$0x3F9A]  }
0x1a: {  	s8 =	sadd.s32 $0xFFFFE003, lr  }
0x1b: {  	s9 =	sadd.s32 $0xFFFFFEF7, lr;
	s5 =	simm.s32 $0xFFFFFFFF;
	p2 =	slt.u32 s8, $0xFFFFF086  }
0x1c: {  	p1 =	slt.u32 s9, $0xF7A;
	s5 =	simm.s32 @!p2 $0x0  }
0x1d: {  	s5 =	simm.s32 @p1 $0x1;
	p0 =	seq.s32 s7, s2  }
0x1e: {  	s7 =	smul.u32 @!p0 $0xF7A, s2;
	p2 =	seq.s32 @!p0 s5, $0x0  }
0x1f: {  	s9 =	smul.u32 $0xF7A, s1;
	s8 =	simm.s32 @!p0 $0x1BF5;
	p2 =	por !p2, p0  }
0x20: {  	[sflag:s8] =	ssyncset.s32 @!p0 $0xFFFFF086;
	s6 =	sadd.s32 @!p0 s3, s7;
	s7 =	simm.s32 @!p0 $0x108  }
0x21: {  	s3 =	sadd.s32 s3, s9;
	s6 =	sadd.s32 @!p0 $0x88, s6;
	s7 =	simm.s32 @p2 $0x1082  }
0x22: {  	[simem:s7], [sflag:s8] =	dma.local @!p0 [hbm:s6], $0xF7A  }
0x23: {  	s9 =	sor.u32 $0xD0000000, s2;
	s6 =	simm.s32 $0x108;
	_ =	swait.ge @!p0 [sflag:s8], $0x0  }
0x24: {  	s3 =	sadd.s32 $0x88, s3;
	s6 =	simm.s32 @!p1 $0x1082;
	[sflag:s4] =	ssyncset.s32 $0xFFFFF086  }
0x25: {  	[simem:s6], [sflag:s4] =	dma.local [hbm:s3], $0xF7A  }
0x26: {  	[smem:$0x3F9A] =	sst s1;
	(tag) =	ssettag s2;
	_ =	strace s9  }
0x27: {  	s1 =	sld [smem:$0x3FAA]  }
0x28: {  	s2 =	sld [smem:$0x3FAB]  }
0x29: {  	s4 =	sld [smem:$0x3FAD]  }
0x2a: {  	p0 =	seq.s32 s5, $0x0;
	s5 =	sld [smem:$0x3FAE]  }
0x2b: {  	s6 =	sld [smem:$0x3FAF]  }
0x2c: {  	s7 =	sld [smem:$0x3FB0]  }
0x2d: {  	s3 =	simm.s32 $0x108;
	s8 =	sld [smem:$0x3FB1]  }
0x2e: {  	s3 =	simm.s32 @!p0 $0x1082;
	s9 =	sld [smem:$0x3FB2]  }
0x2f: {  	lr =	sadd.s32 s0, s3;
	s0 =	sld [smem:$0x3FA9]  }
0x30: {  	s3 =	sld [smem:$0x3FAC]  }
0x31: {  	[smem:$0x3FB5] =	sst s10  }
0x32: {  	s10 =	sld [smem:$0x3FB3];
	_ =	sdelay $0x3  }
0x33: {  	p0 =	seq.s32 s10, $0x1;
	s10 =	sld [smem:$0x3FB5];
	_ =	sdelay $0x3  }
0x34: {  	[smem:$0x3FB5] =	sst s10  }
0x35: {  	s10 =	sld [smem:$0x3FB4];
	_ =	sdelay $0x3  }
0x36: {  	p1 =	seq.s32 s10, $0x1;
	s10 =	sld [smem:$0x3FB5];
	_ =	sdelay $0x3  }
0x37: {  	[smem:$0x3FB5] =	sst s10  }
0x38: {  	s10 =	sld [smem:$0x3FB6]  }
0x39: {  	_ = 	snop;
	(pc) =	sbr.ind lr, $3  }
0x3a: {  	_ = 	snop  }
0x3b: {  	_ = 	snop  }
0x3c: {  	p2 =	seq.s32 s10, $0x1;
	s10 =	sld [smem:$0x3FB5]  }
0x3d: {  	_ =	shalt  }
0x3e: {  	_ =	shalt  }
0x3f: {  	_ =	shalt  }
0x40: {  	_ =	shalt  }
0x41: {  	_ =	shalt  }
0x42: {  	_ =	shalt  }
0x43: {  	_ =	shalt  }
0x44: {  	_ =	shalt  }
0x45: {  	_ =	shalt  }
0x46: {  	_ =	shalt  }
0x47: {  	_ =	shalt  }
0x48: {  	_ =	shalt  }
0x49: {  	_ =	shalt  }
0x4a: {  	_ =	shalt  }
0x4b: {  	_ =	shalt  }
0x4c: {  	_ =	shalt  }
0x4d: {  	_ =	shalt  }
0x4e: {  	_ =	shalt  }
0x4f: {  	_ =	shalt  }
0x50: {  	_ =	shalt  }
0x51: {  	_ =	shalt  }
0x52: {  	_ =	shalt  }
0x53: {  	_ =	shalt  }
0x54: {  	_ =	shalt  }
0x55: {  	_ =	shalt  }
0x56: {  	_ =	shalt  }
0x57: {  	_ =	shalt  }
0x58: {  	_ =	shalt  }
0x59: {  	_ =	shalt  }
0x5a: {  	_ =	shalt  }
0x5b: {  	_ =	shalt  }
0x5c: {  	_ =	shalt  }
0x5d: {  	_ =	shalt  }
0x5e: {  	_ =	shalt  }
0x5f: {  	_ =	shalt  }
0x60: {  	_ =	shalt  }
0x61: {  	_ =	shalt  }
0x62: {  	_ =	shalt  }
0x63: {  	_ =	shalt  }
0x64: {  	_ =	shalt  }
0x65: {  	_ =	shalt  }
0x66: {  	_ =	shalt  }
0x67: {  	_ =	shalt  }
0x68: {  	_ =	shalt  }
0x69: {  	_ =	shalt  }
0x6a: {  	_ =	shalt  }
0x6b: {  	_ =	shalt  }
0x6c: {  	_ =	shalt  }
0x6d: {  	_ =	shalt  }
0x6e: {  	_ =	shalt  }
0x6f: {  	_ =	shalt  }
0x70: {  	_ =	shalt  }
0x71: {  	_ =	shalt  }
0x72: {  	_ =	shalt  }
0x73: {  	_ =	shalt  }
0x74: {  	_ =	shalt  }
0x75: {  	_ =	shalt  }
0x76: {  	_ =	shalt  }
0x77: {  	_ =	shalt  }
0x78: {  	_ =	shalt  }
0x79: {  	_ =	shalt  }
0x7a: {  	_ =	shalt  }
0x7b: {  	_ =	shalt  }
0x7c: {  	_ =	shalt  }
0x7d: {  	_ =	shalt  }
0x7e: {  	_ =	shalt  }
0x7f: {  	_ =	shalt  }
0x80: {  	_ =	shalt  }
0x81: {  	_ =	shalt  }
0x82: {  	_ =	shalt  }
0x83: {  	_ =	shalt  }
0x84: {  	_ =	shalt  }
0x85: {  	_ =	shalt  }
0x86: {  	_ =	shalt  }
0x87: {  	_ =	shalt  }
.Lfunc_end0:
.L_simem_size_0:
called_computation_lowered:
.L_overlay_start_0:
0x88: {  	s2 =	sld [smem:$0x3FD9]  }
0x89: {  	s3 =	sld [smem:$0x3FFE];
	_ =	sdelay $0x1  }
0x8a: {  	s1 =	srdreg.scid  }
0x8b: {  	s0 =	sand.u32 $0x1, s1  }
0x8c: {  	s16 =	sshll.u32 s0, $0xA;
	s2 =	sadd.s32 s3, s2  }
0x8d: {  	s2 =	sadd.s32 s2, s16  }
0x8e: {  	[smem:$0x3FC1] =	sst s2  }
0x8f: {  	_ = 	snop  }
0x90: {  	(tm) =	ssettm $0x1  }
0x91: {  	s17 =	sld [smem:$0x3FFB];
	_ =	sdelay $0x3  }
0x92: {  	_ =	strace s17  }
0x93: {  	s2 =	sld [smem:$0x3FFC];
	_ =	sdelay $0x3  }
0x94: {  	_ =	strace s2  }
0x95: {  	s2 =	sld [smem:$0x3FFD];
	_ =	sdelay $0x3  }
0x96: {  	_ =	strace s2  }
0x97: {  	_ =	strace $0x8FFFFFFF  }
0x98: {  	s18 =	sld [smem:$0x3FDB];
	_ =	sdelay $0x1  }
0x99: {  	s19 =	simm.s32 $_scs_section_size  }
0x9a: {  	s4 =	simm.s32 $_size__tile_overlayer_lowered;
	s5 =	simm.s32 $_tile_overlayer_lowered  }
0x9b: {  	s22 =	simm.s32 $0x1BFF;
	s21 =	sshll.u32 s5, $0x1;
	s2 =	sadd.s32 s19, s18  }
0x9c: {  	s6 =	simm.s32 $0x0;
	s20 =	sshll.u32 s4, $0x1;
	s4 =	sadd.s32 s21, s2  }
0x9d: {  	[timem:s6], [sflag:s22] =	dma.local [hbm:s4], s20  }
0x9e: {  	_ =	swait.ge [sflag:s22], s20  }
0x9f: {  	s3 =	ssub.s32 $0x0, s20;
	[sflag:s22] =	ssyncset.done $0x0  }
0xa0: {  	[sflag:s22] =	ssyncadd.s32 s3;
	_ =	sdelay $0x1  }
0xa1: {  	s23 =	simm.s32 $0x1B8B  }
0xa2: {  	_ =	swait.ge [sflag:s23], $0x1  }
0xa3: {  	[sflag:s23] =	ssyncset.done $0x0  }
0xa4: {  	s25 =	simm.s32 $0x1B8E;
	s24 =	sld [smem:$0x3FFE];
	[sflag:s23] =	ssyncadd.s32 $0xFFFFFFFF  }
0xa5: {  	s26 =	simm.s32 $execute0_lowered;
	[smem:$0x3FD2] =	sst s25  }
0xa6: {  	s4 =	sshll.u32 s26, $0x1;
	_ =	strace $0x80000046;
	[dreg:$0x1] =	wrdreg $0xFFFFFFFF  }
0xa7: {  	s28 =	simm.s32 $_size_execute0_lowered;
	s2 =	sadd.s32 s2, s4;
	[dreg:$0x0] =	wrdreg $0x0  }
0xa8: {  	s4 =	sshll.u32 s28, $0x1;
	[dreg:$0x2] =	wrdreg s2  }
0xa9: {  	[dreg:$0x3] =	wrdreg s4  }
0xaa: {  	[dreg:$0x4] =	wrdreg $0xC0  }
0xab: {  	_ =	task [dreg:s6], $0x5FFFF  }
0xac: {  	[dreg:$0x1] =	wrdreg $0xFFFFFFFF  }
0xad: {  	[dreg:$0x0] =	wrdreg $0x60  }
0xae: {  	[dreg:$0x2] =	wrdreg s24  }
0xaf: {  	[dreg:$0x3] =	wrdreg $0x9  }
0xb0: {  	_ =	task.clear_ibuf [dreg:s6], $0x4FFFF;
	_ =	strace $0x90000046  }
0xb1: {  	s29 =	simm.s32 $0x9;
	_ =	strace $0x80000048  }
0xb2: {  	_ =	swait.ge [sflag:s29], $0x1  }
0xb3: {  	[sflag:s29] =	ssyncadd.s32 $0xFFFFFFFF  }
0xb4: {  	_ =	strace $0x90000048  }
0xb5: {  	_ =	sfence  }
0xb6: {  	s30 =	sld [smem:$0x0];
	_ =	sdelay $0x2  }
0xb7: {  	s31 =	sshll.u32 s1, $0xD;
	s1 =	sshrl.u32 s1, $0x2  }
0xb8: {  	s3 =	sand.u32 $0x4000, s31;
	s1 =	sadd.s32 s1, s30  }
0xb9: {  	s0 =	sor.u32 s3, s0;
	s1 =	sshll.u32 s1, $0x11  }
0xba: {  	s0 =	sor.u32 s1, s0  }
0xbb: {  	s0 =	sadd.s32 $0x8F2B, s0  }
0xbc: {  	[sflag:s0] =	ssyncadd.remote.s32 $0x1  }
0xbd: {  	_ =	sfence.sel $0xFFFF  }
0xbe: {  	[dreg:$0x0] =	wrdreg $0xFFFFFFFF;
	(pc) =	sbr.abs _section_cstart, $3  }
0xbf: {  	[dreg:$0x1] =	wrdreg $0xFFFFFFFF  }
0xc0: {  	_ =	task.clear_ibuf [dreg:s6], $0x2FFFF;
	_ =	strace $0x9FFFFFFF  }
0xc1: {  	(tm) =	ssettm $0x7FFFFFFF  }
tec
execute0_lowered:
.L_overlay_start_1:
0x0: {  	(tag) =	ssettag $0x1  }
0x1: {  	s0 =	srdreg.scid;
	s6 =	stileid.u32  }
0x2: {  	s2 =	simm.s32 $0x0;
	s1 =	sand.u32 $0x1, s0;
	s0 =	rddreg [dreg:$0x0]  }
0x3: {  	s3 =	sshll.u32 s6, $0x7;
	[smem:$0x7FF] =	sst s2  }
0x4: {  	s6 =	sshll.u32 s6, $0xE;
	s4 =	sshll.u32 s1, $0x6;
	s7 =	sshll.u32 s1, $0xD  }
0x5: {  	s5 =	sadd.s32 $0x7A8200, s0;
	s3 =	sor.u32 s4, s3;
	s4 =	sor.u32 s7, s6  }
0x6: {  	_ =	strace $0x80000047;
	s9 =	sadd.s32 $0x7E8200, s0;
	s17 =	sadd.s32 s5, s4  }
0x7: {  	s24 =	sadd.s32 $0x828200, s0;
	s21 =	sadd.s32 s9, s4;
	[dreg:$0x7] =	wrdreg s17  }
0x8: {  	s3 =	sadd.s32 s3, s0;
	s26 =	sadd.s32 s24, s4;
	[dreg:$0xb] =	wrdreg s21  }
0x9: {  	s13 =	sadd.s32 $0x7A5200, s3;
	[dreg:$0xf] =	wrdreg s26  }
0xa: {  	s28 =	simm.s32 $0x200;
	s14 =	sadd.s32 $0x7A5A00, s3;
	[dreg:$0x2] =	wrdreg s13  }
0xb: {  	s31 =	simm.s32 $0x100;
	s15 =	sadd.s32 $0x7A6200, s3;
	[dreg:$0x3] =	wrdreg s14  }
0xc: {  	s30 =	simm.s32 $0x180;
	s16 =	sadd.s32 $0x7A6A00, s3;
	[dreg:$0x4] =	wrdreg s15  }
0xd: {  	s6 =	sor.u32 $0x800, s4;
	s3 =	sadd.s32 $0x7A7A00, s3;
	[dreg:$0x5] =	wrdreg s16  }
0xe: {  	s7 =	sor.u32 $0x1000, s4;
	s18 =	sadd.s32 s5, s6;
	[dreg:$0x6] =	wrdreg s3  }
0xf: {  	s8 =	sor.u32 $0x1800, s4;
	s19 =	sadd.s32 s5, s7;
	[dreg:$0x8] =	wrdreg s18  }
0x10: {  	s29 =	simm.s32 $0x280;
	s20 =	sadd.s32 s5, s8;
	[dreg:$0x9] =	wrdreg s19  }
0x11: {  	p0 =	por $0x0, $0x0;
	s22 =	sadd.s32 s9, s6;
	[dreg:$0xa] =	wrdreg s20  }
0x12: {  	s11 =	sadd.s32 $0x868200, s0;
	s23 =	sadd.s32 s9, s7;
	[dreg:$0xc] =	wrdreg s22  }
0x13: {  	s12 =	sadd.s32 $0x4000, s0;
	s25 =	sadd.s32 s9, s8;
	[dreg:$0xd] =	wrdreg s23  }
0x14: {  	s1 =	ssub.s32 $0x2, s1;
	s9 =	sadd.s32 s24, s6;
	[dreg:$0xe] =	wrdreg s25  }
0x15: {  	s10 =	sadd.s32 s24, s7;
	s17 =	sadd.s32 s11, s8;
	[dreg:$0x10] =	wrdreg s9  }
0x16: {  	s26 =	simm.s32 $0x300;
	s21 =	simm.s32 $0x580;
	[dreg:$0x11] =	wrdreg s10  }
0x17: {  	s13 =	sadd.s32 s24, s8;
	s14 =	sadd.s32 s11, s4;
	s15 =	sadd.s32 s11, s6  }
0x18: {  	s3 =	sadd.s32 $0x2000, s0;
	s16 =	sadd.s32 s11, s7;
	s0 =	sadd.s32 $0x8A8200, s0  }
0x19: {  	[dreg:$0x16] =	wrdreg s17;
	s18 =	sshrl.u32 s1, $0x1;
	s23 =	simm.s32 $0x400  }
0x1a: {  	s10 =	simm.s32 $0x80;
	s9 =	simm.s32 $0xC00;
	[dreg:$0x12] =	wrdreg s13  }
0x1b: {  	s11 =	simm.s32 $0x1;
	s25 =	simm.s32 $0x380;
	[dreg:$0x13] =	wrdreg s14  }
0x1c: {  	s24 =	simm.s32 $0x480;
	s22 =	simm.s32 $0x500;
	[dreg:$0x14] =	wrdreg s15  }
0x1d: {  	s17 =	simm.s32 $0x780;
	[dreg:$0x15] =	wrdreg s16;
	s1 =	ssub.s32 s1, s18  }
0x1e: {  	s4 =	sadd.s32 s0, s4;
	s19 =	sadd.s32 s0, s6;
	s20 =	smax.u32 s1, $0x1  }
0x1f: {  	s6 =	sadd.s32 s0, s7;
	s5 =	sadd.s32 s0, s8;
	p1 =	sne.s32 s20, $0x1  }
.Ltmp0:
0x20: {  	s18 =	simm.s32 $0x600;
	s14 =	simm.s32 $0x800;
	(pc) =	sbr.rel @!p1 .LBB2_3-.Ltmp0, $4  }
0x21: {  	s7 =	simm.s32 $0x4C00;
	s8 =	simm.s32 $0x2;
	s0 =	rddreg [dreg:$0x2]  }
0x22: {  	s16 =	simm.s32 $0x880;
	s15 =	simm.s32 $0x900;
	[dreg:$0x17] =	wrdreg s4  }
0x23: {  	s13 =	simm.s32 $0x980;
	[dreg:$0x18] =	wrdreg s19;
	s4 =	simm.s32 $0x3  }
0x24: {  	s19 =	simm.s32 $0x700;
	s1 =	sadd.s32 $0xFFFFFFFF, s20;
	s20 =	simm.s32 $0x680  }
0x25: {  	[tilespmem:s2], [sflag:$0x3] =	stream.linear.gather [hbm4b:s0+s2], $0x200, $0x38;
	[tilespmem:$0x8C00] =	vst v63  }
0x26: {  	_ =	swait.ge [sflag:s4], $0x200  }
0x27: {  	[sflag:s4] =	ssyncset.done $0x0  }
0x28: {  	s0 =	rddreg [dreg:$0x3];
	[sflag:s4] =	ssyncadd.s32 $0xFFFFFE00  }
0x29: {  	[tilespmem:s28], [sflag:$0x3] =	stream.linear.gather [hbm4b:s0+s2], $0x200, $0x38;
	[tilespmem:$0x8C00] =	vst v63  }
0x2a: {  	_ =	swait.ge [sflag:s4], $0x200  }
0x2b: {  	[sflag:s4] =	ssyncset.done $0x0  }
0x2c: {  	s0 =	rddreg [dreg:$0x4];
	[sflag:s4] =	ssyncadd.s32 $0xFFFFFE00  }
0x2d: {  	[tilespmem:s23], [sflag:$0x3] =	stream.linear.gather [hbm4b:s0+s2], $0x200, $0x38;
	[tilespmem:$0x8C00] =	vst v63  }
0x2e: {  	_ =	swait.ge [sflag:s4], $0x200  }
0x2f: {  	[sflag:s4] =	ssyncset.done $0x0  }
0x30: {  	s0 =	rddreg [dreg:$0x5];
	[sflag:s4] =	ssyncadd.s32 $0xFFFFFE00  }
0x31: {  	[tilespmem:s18], [sflag:$0x3] =	stream.linear.gather [hbm4b:s0+s2], $0x200, $0x38;
	[tilespmem:$0x8C00] =	vst v63  }
0x32: {  	_ =	swait.ge [sflag:s4], $0x200  }
0x33: {  	[sflag:s4] =	ssyncset.done $0x0  }
0x34: {  	s0 =	rddreg [dreg:$0x6];
	[sflag:s4] =	ssyncadd.s32 $0xFFFFFE00  }
0x35: {  	[tilespmem:s14], [sflag:$0x3] =	stream.linear.gather [hbm4b:s0+s2], $0x200, $0x38;
	[tilespmem:$0x8C00] =	vst v63  }
0x36: {  	_ =	swait.ge [sflag:s4], $0x200  }
0x37: {  	[sflag:s4] =	ssyncset.done $0x0  }
0x38: {  	[sflag:s4] =	ssyncadd.s32 $0xFFFFFE00  }
0x39: {  	[tilespmem:s9], [sflag:$0x1] =	stream.indirect.gather [hbm4b:s12+s10], $0x80, s2, s10, $0xb8;
	[tilespmem:$0x8C00] =	vst v63  }
0x3a: {  	_ = 	snop  }
0x3b: {  	[tilespmem:s7], [sflag:$0x2] =	stream.indirect.gather [hbm4b:s12+s10], $0x80, s10, s10, $0xb8;
	[tilespmem:$0x8C00] =	vst v63  }
0x3c: {  	_ =	swait.ge [sflag:s11], $0x4000  }
0x3d: {  	[sflag:s11] =	ssyncset.done $0x0  }
0x3e: {  	s0 =	rddreg [dreg:$0x7];
	[sflag:s11] =	ssyncadd.s32 $0xFFFFC000  }
0x3f: {  	[hbm4b:s0+s2] =	stream.linear.scatter [tilespmem:s9], [sflag:$0x3], $0x4000, $0x38;
	[tilespmem:$0x8C00] =	vst v63  }
0x40: {  	_ =	swait.ge [sflag:s4], $0x4000  }
0x41: {  	[sflag:s4] =	ssyncset.done $0x0  }
0x42: {  	[sflag:s4] =	ssyncadd.s32 $0xFFFFC000  }
0x43: {  	[tilespmem:s9], [sflag:$0x1] =	stream.indirect.gather [hbm4b:s12+s10], $0x80, s31, s10, $0xb8;
	[tilespmem:$0x8C00] =	vst v63  }
0x44: {  	_ =	swait.ge [sflag:s8], $0x4000  }
0x45: {  	[sflag:s8] =	ssyncset.done $0x0  }
0x46: {  	s0 =	rddreg [dreg:$0x8];
	[sflag:s8] =	ssyncadd.s32 $0xFFFFC000  }
0x47: {  	[hbm4b:s0+s2] =	stream.linear.scatter [tilespmem:s7], [sflag:$0x3], $0x4000, $0x38;
	[tilespmem:$0x8C00] =	vst v63  }
0x48: {  	_ =	swait.ge [sflag:s4], $0x4000  }
0x49: {  	[sflag:s4] =	ssyncset.done $0x0  }
0x4a: {  	[sflag:s4] =	ssyncadd.s32 $0xFFFFC000  }
0x4b: {  	[tilespmem:s7], [sflag:$0x2] =	stream.indirect.gather [hbm4b:s12+s10], $0x80, s30, s10, $0xb8;
	[tilespmem:$0x8C00] =	vst v63  }
0x4c: {  	_ =	swait.ge [sflag:s11], $0x4000  }
0x4d: {  	[sflag:s11] =	ssyncset.done $0x0  }
0x4e: {  	s0 =	rddreg [dreg:$0x9];
	[sflag:s11] =	ssyncadd.s32 $0xFFFFC000  }
0x4f: {  	[hbm4b:s0+s2] =	stream.linear.scatter [tilespmem:s9], [sflag:$0x3], $0x4000, $0x38;
	[tilespmem:$0x8C00] =	vst v63  }
0x50: {  	_ =	swait.ge [sflag:s4], $0x4000  }
0x51: {  	[sflag:s4] =	ssyncset.done $0x0  }
0x52: {  	[sflag:s4] =	ssyncadd.s32 $0xFFFFC000  }
0x53: {  	[tilespmem:s9], [sflag:$0x1] =	stream.indirect.gather [hbm4b:s12+s10], $0x80, s28, s10, $0xb8;
	[tilespmem:$0x8C00] =	vst v63  }
0x54: {  	_ =	swait.ge [sflag:s8], $0x4000  }
0x55: {  	[sflag:s8] =	ssyncset.done $0x0  }
0x56: {  	s0 =	rddreg [dreg:$0xa];
	[sflag:s8] =	ssyncadd.s32 $0xFFFFC000  }
0x57: {  	[hbm4b:s0+s2] =	stream.linear.scatter [tilespmem:s7], [sflag:$0x3], $0x4000, $0x38;
	[tilespmem:$0x8C00] =	vst v63  }
0x58: {  	_ =	swait.ge [sflag:s4], $0x4000  }
0x59: {  	[sflag:s4] =	ssyncset.done $0x0  }
0x5a: {  	[sflag:s4] =	ssyncadd.s32 $0xFFFFC000  }
0x5b: {  	[tilespmem:s7], [sflag:$0x2] =	stream.indirect.gather [hbm4b:s12+s10], $0x80, s29, s10, $0xb8;
	[tilespmem:$0x8C00] =	vst v63  }
0x5c: {  	_ =	swait.ge [sflag:s11], $0x4000  }
0x5d: {  	[sflag:s11] =	ssyncset.done $0x0  }
0x5e: {  	s0 =	rddreg [dreg:$0xb];
	[sflag:s11] =	ssyncadd.s32 $0xFFFFC000  }
0x5f: {  	[hbm4b:s0+s2] =	stream.linear.scatter [tilespmem:s9], [sflag:$0x3], $0x4000, $0x38;
	[tilespmem:$0x8C00] =	vst v63  }
0x60: {  	_ =	swait.ge [sflag:s4], $0x4000  }
0x61: {  	[sflag:s4] =	ssyncset.done $0x0  }
0x62: {  	[sflag:s4] =	ssyncadd.s32 $0xFFFFC000  }
0x63: {  	[tilespmem:s9], [sflag:$0x1] =	stream.indirect.gather [hbm4b:s12+s10], $0x80, s26, s10, $0xb8;
	[tilespmem:$0x8C00] =	vst v63  }
0x64: {  	_ =	swait.ge [sflag:s8], $0x4000  }
0x65: {  	[sflag:s8] =	ssyncset.done $0x0  }
0x66: {  	s0 =	rddreg [dreg:$0xc];
	[sflag:s8] =	ssyncadd.s32 $0xFFFFC000  }
0x67: {  	[hbm4b:s0+s2] =	stream.linear.scatter [tilespmem:s7], [sflag:$0x3], $0x4000, $0x38;
	[tilespmem:$0x8C00] =	vst v63  }
0x68: {  	_ =	swait.ge [sflag:s4], $0x4000  }
0x69: {  	[sflag:s4] =	ssyncset.done $0x0  }
0x6a: {  	[sflag:s4] =	ssyncadd.s32 $0xFFFFC000  }
0x6b: {  	[tilespmem:s7], [sflag:$0x2] =	stream.indirect.gather [hbm4b:s12+s10], $0x80, s25, s10, $0xb8;
	[tilespmem:$0x8C00] =	vst v63  }
0x6c: {  	_ =	swait.ge [sflag:s11], $0x4000  }
0x6d: {  	[sflag:s11] =	ssyncset.done $0x0  }
0x6e: {  	s0 =	rddreg [dreg:$0xd];
	[sflag:s11] =	ssyncadd.s32 $0xFFFFC000  }
0x6f: {  	[hbm4b:s0+s2] =	stream.linear.scatter [tilespmem:s9], [sflag:$0x3], $0x4000, $0x38;
	[tilespmem:$0x8C00] =	vst v63  }
0x70: {  	_ =	swait.ge [sflag:s4], $0x4000  }
0x71: {  	[sflag:s4] =	ssyncset.done $0x0  }
0x72: {  	[sflag:s4] =	ssyncadd.s32 $0xFFFFC000  }
0x73: {  	[tilespmem:s9], [sflag:$0x1] =	stream.indirect.gather [hbm4b:s12+s10], $0x80, s23, s10, $0xb8;
	[tilespmem:$0x8C00] =	vst v63  }
0x74: {  	_ =	swait.ge [sflag:s8], $0x4000  }
0x75: {  	[sflag:s8] =	ssyncset.done $0x0  }
0x76: {  	s0 =	rddreg [dreg:$0xe];
	[sflag:s8] =	ssyncadd.s32 $0xFFFFC000  }
0x77: {  	[hbm4b:s0+s2] =	stream.linear.scatter [tilespmem:s7], [sflag:$0x3], $0x4000, $0x38;
	[tilespmem:$0x8C00] =	vst v63  }
0x78: {  	_ =	swait.ge [sflag:s4], $0x4000  }
0x79: {  	[sflag:s4] =	ssyncset.done $0x0  }
0x7a: {  	[sflag:s4] =	ssyncadd.s32 $0xFFFFC000  }
0x7b: {  	[tilespmem:s7], [sflag:$0x2] =	stream.indirect.gather [hbm4b:s12+s10], $0x80, s24, s10, $0xb8;
	[tilespmem:$0x8C00] =	vst v63  }
0x7c: {  	_ =	swait.ge [sflag:s11], $0x4000  }
0x7d: {  	[sflag:s11] =	ssyncset.done $0x0  }
0x7e: {  	s0 =	rddreg [dreg:$0xf];
	[sflag:s11] =	ssyncadd.s32 $0xFFFFC000  }
0x7f: {  	[hbm4b:s0+s2] =	stream.linear.scatter [tilespmem:s9], [sflag:$0x3], $0x4000, $0x38;
	[tilespmem:$0x8C00] =	vst v63  }
0x80: {  	_ =	swait.ge [sflag:s4], $0x4000  }
0x81: {  	[sflag:s4] =	ssyncset.done $0x0  }
0x82: {  	[sflag:s4] =	ssyncadd.s32 $0xFFFFC000  }
0x83: {  	[tilespmem:s9], [sflag:$0x1] =	stream.indirect.gather [hbm4b:s12+s10], $0x80, s22, s10, $0xb8;
	[tilespmem:$0x8C00] =	vst v63  }
0x84: {  	_ =	swait.ge [sflag:s8], $0x4000  }
0x85: {  	[sflag:s8] =	ssyncset.done $0x0  }
0x86: {  	s0 =	rddreg [dreg:$0x10];
	[sflag:s8] =	ssyncadd.s32 $0xFFFFC000  }
0x87: {  	[hbm4b:s0+s2] =	stream.linear.scatter [tilespmem:s7], [sflag:$0x3], $0x4000, $0x38;
	[tilespmem:$0x8C00] =	vst v63  }
0x88: {  	_ =	swait.ge [sflag:s4], $0x4000  }
0x89: {  	[sflag:s4] =	ssyncset.done $0x0  }
0x8a: {  	[sflag:s4] =	ssyncadd.s32 $0xFFFFC000  }
0x8b: {  	[tilespmem:s7], [sflag:$0x2] =	stream.indirect.gather [hbm4b:s12+s10], $0x80, s21, s10, $0xb8;
	[tilespmem:$0x8C00] =	vst v63  }
0x8c: {  	_ =	swait.ge [sflag:s11], $0x4000  }
0x8d: {  	[sflag:s11] =	ssyncset.done $0x0  }
0x8e: {  	s0 =	rddreg [dreg:$0x11];
	[sflag:s11] =	ssyncadd.s32 $0xFFFFC000  }
0x8f: {  	[hbm4b:s0+s2] =	stream.linear.scatter [tilespmem:s9], [sflag:$0x3], $0x4000, $0x38;
	[tilespmem:$0x8C00] =	vst v63  }
0x90: {  	_ =	swait.ge [sflag:s4], $0x4000  }
0x91: {  	[sflag:s4] =	ssyncset.done $0x0  }
0x92: {  	[sflag:s4] =	ssyncadd.s32 $0xFFFFC000  }
0x93: {  	[tilespmem:s9], [sflag:$0x1] =	stream.indirect.gather [hbm4b:s12+s10], $0x80, s18, s10, $0xb8;
	[tilespmem:$0x8C00] =	vst v63  }
0x94: {  	_ =	swait.ge [sflag:s8], $0x4000  }
0x95: {  	[sflag:s8] =	ssyncset.done $0x0  }
0x96: {  	s0 =	rddreg [dreg:$0x12];
	[sflag:s8] =	ssyncadd.s32 $0xFFFFC000  }
0x97: {  	[hbm4b:s0+s2] =	stream.linear.scatter [tilespmem:s7], [sflag:$0x3], $0x4000, $0x38;
	[tilespmem:$0x8C00] =	vst v63  }
0x98: {  	_ =	swait.ge [sflag:s4], $0x4000  }
0x99: {  	[sflag:s4] =	ssyncset.done $0x0  }
0x9a: {  	[sflag:s4] =	ssyncadd.s32 $0xFFFFC000  }
0x9b: {  	[tilespmem:s7], [sflag:$0x2] =	stream.indirect.gather [hbm4b:s12+s10], $0x80, s20, s10, $0xb8;
	[tilespmem:$0x8C00] =	vst v63  }
0x9c: {  	_ =	swait.ge [sflag:s11], $0x4000  }
0x9d: {  	[sflag:s11] =	ssyncset.done $0x0  }
0x9e: {  	s0 =	rddreg [dreg:$0x13];
	[sflag:s11] =	ssyncadd.s32 $0xFFFFC000  }
0x9f: {  	[hbm4b:s0+s2] =	stream.linear.scatter [tilespmem:s9], [sflag:$0x3], $0x4000, $0x38;
	[tilespmem:$0x8C00] =	vst v63  }
0xa0: {  	_ =	swait.ge [sflag:s4], $0x4000  }
0xa1: {  	[sflag:s4] =	ssyncset.done $0x0  }
0xa2: {  	[sflag:s4] =	ssyncadd.s32 $0xFFFFC000  }
0xa3: {  	[tilespmem:s9], [sflag:$0x1] =	stream.indirect.gather [hbm4b:s12+s10], $0x80, s19, s10, $0xb8;
	[tilespmem:$0x8C00] =	vst v63  }
0xa4: {  	_ =	swait.ge [sflag:s8], $0x4000  }
0xa5: {  	[sflag:s8] =	ssyncset.done $0x0  }
0xa6: {  	s0 =	rddreg [dreg:$0x14];
	[sflag:s8] =	ssyncadd.s32 $0xFFFFC000  }
0xa7: {  	[hbm4b:s0+s2] =	stream.linear.scatter [tilespmem:s7], [sflag:$0x3], $0x4000, $0x38;
	[tilespmem:$0x8C00] =	vst v63  }
0xa8: {  	_ =	swait.ge [sflag:s4], $0x4000  }
0xa9: {  	[sflag:s4] =	ssyncset.done $0x0  }
0xaa: {  	[sflag:s4] =	ssyncadd.s32 $0xFFFFC000  }
0xab: {  	[tilespmem:s7], [sflag:$0x2] =	stream.indirect.gather [hbm4b:s12+s10], $0x80, s17, s10, $0xb8;
	[tilespmem:$0x8C00] =	vst v63  }
0xac: {  	_ =	swait.ge [sflag:s11], $0x4000  }
0xad: {  	[sflag:s11] =	ssyncset.done $0x0  }
0xae: {  	s0 =	rddreg [dreg:$0x15];
	[sflag:s11] =	ssyncadd.s32 $0xFFFFC000  }
0xaf: {  	[hbm4b:s0+s2] =	stream.linear.scatter [tilespmem:s9], [sflag:$0x3], $0x4000, $0x38;
	[tilespmem:$0x8C00] =	vst v63  }
0xb0: {  	_ =	swait.ge [sflag:s4], $0x4000  }
0xb1: {  	[sflag:s4] =	ssyncset.done $0x0  }
0xb2: {  	[sflag:s4] =	ssyncadd.s32 $0xFFFFC000  }
0xb3: {  	[tilespmem:s9], [sflag:$0x1] =	stream.indirect.gather [hbm4b:s3+s10], $0x80, s14, s10, $0xb8;
	[tilespmem:$0x8C00] =	vst v63  }
0xb4: {  	_ =	swait.ge [sflag:s8], $0x4000  }
0xb5: {  	[sflag:s8] =	ssyncset.done $0x0  }
0xb6: {  	s0 =	rddreg [dreg:$0x16];
	[sflag:s8] =	ssyncadd.s32 $0xFFFFC000  }
0xb7: {  	[hbm4b:s0+s2] =	stream.linear.scatter [tilespmem:s7], [sflag:$0x3], $0x4000, $0x38;
	[tilespmem:$0x8C00] =	vst v63  }
0xb8: {  	_ =	swait.ge [sflag:s4], $0x4000  }
0xb9: {  	[sflag:s4] =	ssyncset.done $0x0  }
0xba: {  	[sflag:s4] =	ssyncadd.s32 $0xFFFFC000  }
0xbb: {  	[tilespmem:s7], [sflag:$0x2] =	stream.indirect.gather [hbm4b:s3+s10], $0x80, s16, s10, $0xb8;
	[tilespmem:$0x8C00] =	vst v63  }
0xbc: {  	_ =	swait.ge [sflag:s11], $0x4000  }
0xbd: {  	[sflag:s11] =	ssyncset.done $0x0  }
0xbe: {  	s0 =	rddreg [dreg:$0x17];
	[sflag:s11] =	ssyncadd.s32 $0xFFFFC000  }
0xbf: {  	[hbm4b:s0+s2] =	stream.linear.scatter [tilespmem:s9], [sflag:$0x3], $0x4000, $0x38;
	[tilespmem:$0x8C00] =	vst v63  }
0xc0: {  	_ =	swait.ge [sflag:s4], $0x4000  }
0xc1: {  	[sflag:s4] =	ssyncset.done $0x0  }
0xc2: {  	[sflag:s4] =	ssyncadd.s32 $0xFFFFC000  }
0xc3: {  	[tilespmem:s9], [sflag:$0x1] =	stream.indirect.gather [hbm4b:s3+s10], $0x80, s15, s10, $0xb8;
	[tilespmem:$0x8C00] =	vst v63  }
0xc4: {  	_ =	swait.ge [sflag:s8], $0x4000  }
0xc5: {  	[sflag:s8] =	ssyncset.done $0x0  }
0xc6: {  	s0 =	rddreg [dreg:$0x18];
	[sflag:s8] =	ssyncadd.s32 $0xFFFFC000  }
0xc7: {  	[hbm4b:s0+s2] =	stream.linear.scatter [tilespmem:s7], [sflag:$0x3], $0x4000, $0x38;
	[tilespmem:$0x8C00] =	vst v63  }
0xc8: {  	_ =	swait.ge [sflag:s4], $0x4000  }
0xc9: {  	[sflag:s4] =	ssyncset.done $0x0  }
0xca: {  	[sflag:s4] =	ssyncadd.s32 $0xFFFFC000  }
0xcb: {  	[tilespmem:s7], [sflag:$0x2] =	stream.indirect.gather [hbm4b:s3+s10], $0x80, s13, s10, $0xb8;
	[tilespmem:$0x8C00] =	vst v63  }
0xcc: {  	_ =	swait.ge [sflag:s11], $0x4000  }
0xcd: {  	[sflag:s11] =	ssyncset.done $0x0  }
0xce: {  	[sflag:s11] =	ssyncadd.s32 $0xFFFFC000  }
0xcf: {  	[hbm4b:s6+s2] =	stream.linear.scatter [tilespmem:s9], [sflag:$0x3], $0x4000, $0x38;
	[tilespmem:$0x8C00] =	vst v63  }
0xd0: {  	_ =	swait.ge [sflag:s4], $0x4000  }
0xd1: {  	[sflag:s4] =	ssyncset.done $0x0  }
0xd2: {  	[sflag:s4] =	ssyncadd.s32 $0xFFFFC000  }
0xd3: {  	p1 =	sne.s32 s1, $0x1;
	_ =	swait.ge [sflag:s8], $0x4000  }
.Ltmp1:
0xd4: {  	[sflag:s8] =	ssyncset.done $0x0;
	(pc) =	sbr.rel @!p1 .LBB2_3-.Ltmp1, $4  }
0xd5: {  	[sflag:s8] =	ssyncadd.s32 $0xFFFFC000  }
0xd6: {  	[hbm4b:s5+s2] =	stream.linear.scatter [tilespmem:s7], [sflag:$0x3], $0x4000, $0x38;
	[tilespmem:$0x8C00] =	vst v63  }
0xd7: {  	s1 =	sadd.s32 $0xFFFFFFFF, s1;
	_ =	swait.ge [sflag:s4], $0x4000  }
0xd8: {  	p0 =	por $0x1, $0x1;
	s0 =	rddreg [dreg:$0x2];
	[sflag:s4] =	ssyncset.done $0x0  }
.LBB2_2:
0xd9: {  	[sflag:s4] =	ssyncadd.s32 $0xFFFFC000  }
0xda: {  	[tilespmem:s2], [sflag:$0x3] =	stream.linear.gather [hbm4b:s0+s2], $0x200, $0x38;
	[tilespmem:$0x8C00] =	vst v63  }
0xdb: {  	_ =	swait.ge [sflag:s4], $0x200  }
0xdc: {  	[sflag:s4] =	ssyncset.done $0x0  }
0xdd: {  	s0 =	rddreg [dreg:$0x3];
	[sflag:s4] =	ssyncadd.s32 $0xFFFFFE00  }
0xde: {  	[tilespmem:s28], [sflag:$0x3] =	stream.linear.gather [hbm4b:s0+s2], $0x200, $0x38;
	[tilespmem:$0x8C00] =	vst v63  }
0xdf: {  	_ =	swait.ge [sflag:s4], $0x200  }
0xe0: {  	[sflag:s4] =	ssyncset.done $0x0  }
0xe1: {  	s0 =	rddreg [dreg:$0x4];
	[sflag:s4] =	ssyncadd.s32 $0xFFFFFE00  }
0xe2: {  	[tilespmem:s23], [sflag:$0x3] =	stream.linear.gather [hbm4b:s0+s2], $0x200, $0x38;
	[tilespmem:$0x8C00] =	vst v63  }
0xe3: {  	_ =	swait.ge [sflag:s4], $0x200  }
0xe4: {  	[sflag:s4] =	ssyncset.done $0x0  }
0xe5: {  	s0 =	rddreg [dreg:$0x5];
	[sflag:s4] =	ssyncadd.s32 $0xFFFFFE00  }
0xe6: {  	[tilespmem:s18], [sflag:$0x3] =	stream.linear.gather [hbm4b:s0+s2], $0x200, $0x38;
	[tilespmem:$0x8C00] =	vst v63  }
0xe7: {  	_ =	swait.ge [sflag:s4], $0x200  }
0xe8: {  	[sflag:s4] =	ssyncset.done $0x0  }
0xe9: {  	s0 =	rddreg [dreg:$0x6];
	[sflag:s4] =	ssyncadd.s32 $0xFFFFFE00  }
0xea: {  	[tilespmem:s14], [sflag:$0x3] =	stream.linear.gather [hbm4b:s0+s2], $0x200, $0x38;
	[tilespmem:$0x8C00] =	vst v63  }
0xeb: {  	_ =	swait.ge [sflag:s4], $0x200  }
0xec: {  	[sflag:s4] =	ssyncset.done $0x0  }
0xed: {  	[sflag:s4] =	ssyncadd.s32 $0xFFFFFE00  }
0xee: {  	[tilespmem:s9], [sflag:$0x1] =	stream.indirect.gather [hbm4b:s12+s10], $0x80, s2, s10, $0xb8;
	[tilespmem:$0x8C00] =	vst v63  }
0xef: {  	_ = 	snop  }
0xf0: {  	[tilespmem:s7], [sflag:$0x2] =	stream.indirect.gather [hbm4b:s12+s10], $0x80, s10, s10, $0xb8;
	[tilespmem:$0x8C00] =	vst v63  }
0xf1: {  	_ =	swait.ge [sflag:s11], $0x4000  }
0xf2: {  	[sflag:s11] =	ssyncset.done $0x0  }
0xf3: {  	s0 =	rddreg [dreg:$0x7];
	[sflag:s11] =	ssyncadd.s32 $0xFFFFC000  }
0xf4: {  	[hbm4b:s0+s2] =	stream.linear.scatter [tilespmem:s9], [sflag:$0x3], $0x4000, $0x38;
	[tilespmem:$0x8C00] =	vst v63  }
0xf5: {  	_ =	swait.ge [sflag:s4], $0x4000  }
0xf6: {  	[sflag:s4] =	ssyncset.done $0x0  }
0xf7: {  	[sflag:s4] =	ssyncadd.s32 $0xFFFFC000  }
0xf8: {  	[tilespmem:s9], [sflag:$0x1] =	stream.indirect.gather [hbm4b:s12+s10], $0x80, s31, s10, $0xb8;
	[tilespmem:$0x8C00] =	vst v63  }
0xf9: {  	_ =	swait.ge [sflag:s8], $0x4000  }
0xfa: {  	[sflag:s8] =	ssyncset.done $0x0  }
0xfb: {  	s0 =	rddreg [dreg:$0x8];
	[sflag:s8] =	ssyncadd.s32 $0xFFFFC000  }
0xfc: {  	[hbm4b:s0+s2] =	stream.linear.scatter [tilespmem:s7], [sflag:$0x3], $0x4000, $0x38;
	[tilespmem:$0x8C00] =	vst v63  }
0xfd: {  	_ =	swait.ge [sflag:s4], $0x4000  }
0xfe: {  	[sflag:s4] =	ssyncset.done $0x0  }
0xff: {  	[sflag:s4] =	ssyncadd.s32 $0xFFFFC000  }
0x100: {  	[tilespmem:s7], [sflag:$0x2] =	stream.indirect.gather [hbm4b:s12+s10], $0x80, s30, s10, $0xb8;
	[tilespmem:$0x8C00] =	vst v63  }
0x101: {  	_ =	swait.ge [sflag:s11], $0x4000  }
0x102: {  	[sflag:s11] =	ssyncset.done $0x0  }
0x103: {  	s0 =	rddreg [dreg:$0x9];
	[sflag:s11] =	ssyncadd.s32 $0xFFFFC000  }
0x104: {  	[hbm4b:s0+s2] =	stream.linear.scatter [tilespmem:s9], [sflag:$0x3], $0x4000, $0x38;
	[tilespmem:$0x8C00] =	vst v63  }
0x105: {  	_ =	swait.ge [sflag:s4], $0x4000  }
0x106: {  	[sflag:s4] =	ssyncset.done $0x0  }
0x107: {  	[sflag:s4] =	ssyncadd.s32 $0xFFFFC000  }
0x108: {  	[tilespmem:s9], [sflag:$0x1] =	stream.indirect.gather [hbm4b:s12+s10], $0x80, s28, s10, $0xb8;
	[tilespmem:$0x8C00] =	vst v63  }
0x109: {  	_ =	swait.ge [sflag:s8], $0x4000  }
0x10a: {  	[sflag:s8] =	ssyncset.done $0x0  }
0x10b: {  	s0 =	rddreg [dreg:$0xa];
	[sflag:s8] =	ssyncadd.s32 $0xFFFFC000  }
0x10c: {  	[hbm4b:s0+s2] =	stream.linear.scatter [tilespmem:s7], [sflag:$0x3], $0x4000, $0x38;
	[tilespmem:$0x8C00] =	vst v63  }
0x10d: {  	_ =	swait.ge [sflag:s4], $0x4000  }
0x10e: {  	[sflag:s4] =	ssyncset.done $0x0  }
0x10f: {  	[sflag:s4] =	ssyncadd.s32 $0xFFFFC000  }
0x110: {  	[tilespmem:s7], [sflag:$0x2] =	stream.indirect.gather [hbm4b:s12+s10], $0x80, s29, s10, $0xb8;
	[tilespmem:$0x8C00] =	vst v63  }
0x111: {  	_ =	swait.ge [sflag:s11], $0x4000  }
0x112: {  	[sflag:s11] =	ssyncset.done $0x0  }
0x113: {  	s0 =	rddreg [dreg:$0xb];
	[sflag:s11] =	ssyncadd.s32 $0xFFFFC000  }
0x114: {  	[hbm4b:s0+s2] =	stream.linear.scatter [tilespmem:s9], [sflag:$0x3], $0x4000, $0x38;
	[tilespmem:$0x8C00] =	vst v63  }
0x115: {  	_ =	swait.ge [sflag:s4], $0x4000  }
0x116: {  	[sflag:s4] =	ssyncset.done $0x0  }
0x117: {  	[sflag:s4] =	ssyncadd.s32 $0xFFFFC000  }
0x118: {  	[tilespmem:s9], [sflag:$0x1] =	stream.indirect.gather [hbm4b:s12+s10], $0x80, s26, s10, $0xb8;
	[tilespmem:$0x8C00] =	vst v63  }
0x119: {  	_ =	swait.ge [sflag:s8], $0x4000  }
0x11a: {  	[sflag:s8] =	ssyncset.done $0x0  }
0x11b: {  	s0 =	rddreg [dreg:$0xc];
	[sflag:s8] =	ssyncadd.s32 $0xFFFFC000  }
0x11c: {  	[hbm4b:s0+s2] =	stream.linear.scatter [tilespmem:s7], [sflag:$0x3], $0x4000, $0x38;
	[tilespmem:$0x8C00] =	vst v63  }
0x11d: {  	_ =	swait.ge [sflag:s4], $0x4000  }
0x11e: {  	[sflag:s4] =	ssyncset.done $0x0  }
0x11f: {  	[sflag:s4] =	ssyncadd.s32 $0xFFFFC000  }
0x120: {  	[tilespmem:s7], [sflag:$0x2] =	stream.indirect.gather [hbm4b:s12+s10], $0x80, s25, s10, $0xb8;
	[tilespmem:$0x8C00] =	vst v63  }
0x121: {  	_ =	swait.ge [sflag:s11], $0x4000  }
0x122: {  	[sflag:s11] =	ssyncset.done $0x0  }
0x123: {  	s0 =	rddreg [dreg:$0xd];
	[sflag:s11] =	ssyncadd.s32 $0xFFFFC000  }
0x124: {  	[hbm4b:s0+s2] =	stream.linear.scatter [tilespmem:s9], [sflag:$0x3], $0x4000, $0x38;
	[tilespmem:$0x8C00] =	vst v63  }
0x125: {  	_ =	swait.ge [sflag:s4], $0x4000  }
0x126: {  	[sflag:s4] =	ssyncset.done $0x0  }
0x127: {  	[sflag:s4] =	ssyncadd.s32 $0xFFFFC000  }
0x128: {  	[tilespmem:s9], [sflag:$0x1] =	stream.indirect.gather [hbm4b:s12+s10], $0x80, s23, s10, $0xb8;
	[tilespmem:$0x8C00] =	vst v63  }
0x129: {  	_ =	swait.ge [sflag:s8], $0x4000  }
0x12a: {  	[sflag:s8] =	ssyncset.done $0x0  }
0x12b: {  	s0 =	rddreg [dreg:$0xe];
	[sflag:s8] =	ssyncadd.s32 $0xFFFFC000  }
0x12c: {  	[hbm4b:s0+s2] =	stream.linear.scatter [tilespmem:s7], [sflag:$0x3], $0x4000, $0x38;
	[tilespmem:$0x8C00] =	vst v63  }
0x12d: {  	_ =	swait.ge [sflag:s4], $0x4000  }
0x12e: {  	[sflag:s4] =	ssyncset.done $0x0  }
0x12f: {  	[sflag:s4] =	ssyncadd.s32 $0xFFFFC000  }
0x130: {  	[tilespmem:s7], [sflag:$0x2] =	stream.indirect.gather [hbm4b:s12+s10], $0x80, s24, s10, $0xb8;
	[tilespmem:$0x8C00] =	vst v63  }
0x131: {  	_ =	swait.ge [sflag:s11], $0x4000  }
0x132: {  	[sflag:s11] =	ssyncset.done $0x0  }
0x133: {  	s0 =	rddreg [dreg:$0xf];
	[sflag:s11] =	ssyncadd.s32 $0xFFFFC000  }
0x134: {  	[hbm4b:s0+s2] =	stream.linear.scatter [tilespmem:s9], [sflag:$0x3], $0x4000, $0x38;
	[tilespmem:$0x8C00] =	vst v63  }
0x135: {  	_ =	swait.ge [sflag:s4], $0x4000  }
0x136: {  	[sflag:s4] =	ssyncset.done $0x0  }
0x137: {  	[sflag:s4] =	ssyncadd.s32 $0xFFFFC000  }
0x138: {  	[tilespmem:s9], [sflag:$0x1] =	stream.indirect.gather [hbm4b:s12+s10], $0x80, s22, s10, $0xb8;
	[tilespmem:$0x8C00] =	vst v63  }
0x139: {  	_ =	swait.ge [sflag:s8], $0x4000  }
0x13a: {  	[sflag:s8] =	ssyncset.done $0x0  }
0x13b: {  	s0 =	rddreg [dreg:$0x10];
	[sflag:s8] =	ssyncadd.s32 $0xFFFFC000  }
0x13c: {  	[hbm4b:s0+s2] =	stream.linear.scatter [tilespmem:s7], [sflag:$0x3], $0x4000, $0x38;
	[tilespmem:$0x8C00] =	vst v63  }
0x13d: {  	_ =	swait.ge [sflag:s4], $0x4000  }
0x13e: {  	[sflag:s4] =	ssyncset.done $0x0  }
0x13f: {  	[sflag:s4] =	ssyncadd.s32 $0xFFFFC000  }
0x140: {  	[tilespmem:s7], [sflag:$0x2] =	stream.indirect.gather [hbm4b:s12+s10], $0x80, s21, s10, $0xb8;
	[tilespmem:$0x8C00] =	vst v63  }
0x141: {  	_ =	swait.ge [sflag:s11], $0x4000  }
0x142: {  	[sflag:s11] =	ssyncset.done $0x0  }
0x143: {  	s0 =	rddreg [dreg:$0x11];
	[sflag:s11] =	ssyncadd.s32 $0xFFFFC000  }
0x144: {  	[hbm4b:s0+s2] =	stream.linear.scatter [tilespmem:s9], [sflag:$0x3], $0x4000, $0x38;
	[tilespmem:$0x8C00] =	vst v63  }
0x145: {  	_ =	swait.ge [sflag:s4], $0x4000  }
0x146: {  	[sflag:s4] =	ssyncset.done $0x0  }
0x147: {  	[sflag:s4] =	ssyncadd.s32 $0xFFFFC000  }
0x148: {  	[tilespmem:s9], [sflag:$0x1] =	stream.indirect.gather [hbm4b:s12+s10], $0x80, s18, s10, $0xb8;
	[tilespmem:$0x8C00] =	vst v63  }
0x149: {  	_ =	swait.ge [sflag:s8], $0x4000  }
0x14a: {  	[sflag:s8] =	ssyncset.done $0x0  }
0x14b: {  	s0 =	rddreg [dreg:$0x12];
	[sflag:s8] =	ssyncadd.s32 $0xFFFFC000  }
0x14c: {  	[hbm4b:s0+s2] =	stream.linear.scatter [tilespmem:s7], [sflag:$0x3], $0x4000, $0x38;
	[tilespmem:$0x8C00] =	vst v63  }
0x14d: {  	_ =	swait.ge [sflag:s4], $0x4000  }
0x14e: {  	[sflag:s4] =	ssyncset.done $0x0  }
0x14f: {  	[sflag:s4] =	ssyncadd.s32 $0xFFFFC000  }
0x150: {  	[tilespmem:s7], [sflag:$0x2] =	stream.indirect.gather [hbm4b:s12+s10], $0x80, s20, s10, $0xb8;
	[tilespmem:$0x8C00] =	vst v63  }
0x151: {  	_ =	swait.ge [sflag:s11], $0x4000  }
0x152: {  	[sflag:s11] =	ssyncset.done $0x0  }
0x153: {  	s0 =	rddreg [dreg:$0x13];
	[sflag:s11] =	ssyncadd.s32 $0xFFFFC000  }
0x154: {  	[hbm4b:s0+s2] =	stream.linear.scatter [tilespmem:s9], [sflag:$0x3], $0x4000, $0x38;
	[tilespmem:$0x8C00] =	vst v63  }
0x155: {  	_ =	swait.ge [sflag:s4], $0x4000  }
0x156: {  	[sflag:s4] =	ssyncset.done $0x0  }
0x157: {  	[sflag:s4] =	ssyncadd.s32 $0xFFFFC000  }
0x158: {  	[tilespmem:s9], [sflag:$0x1] =	stream.indirect.gather [hbm4b:s12+s10], $0x80, s19, s10, $0xb8;
	[tilespmem:$0x8C00] =	vst v63  }
0x159: {  	_ =	swait.ge [sflag:s8], $0x4000  }
0x15a: {  	[sflag:s8] =	ssyncset.done $0x0  }
0x15b: {  	s0 =	rddreg [dreg:$0x14];
	[sflag:s8] =	ssyncadd.s32 $0xFFFFC000  }
0x15c: {  	[hbm4b:s0+s2] =	stream.linear.scatter [tilespmem:s7], [sflag:$0x3], $0x4000, $0x38;
	[tilespmem:$0x8C00] =	vst v63  }
0x15d: {  	_ =	swait.ge [sflag:s4], $0x4000  }
0x15e: {  	[sflag:s4] =	ssyncset.done $0x0  }
0x15f: {  	[sflag:s4] =	ssyncadd.s32 $0xFFFFC000  }
0x160: {  	[tilespmem:s7], [sflag:$0x2] =	stream.indirect.gather [hbm4b:s12+s10], $0x80, s17, s10, $0xb8;
	[tilespmem:$0x8C00] =	vst v63  }
0x161: {  	_ =	swait.ge [sflag:s11], $0x4000  }
0x162: {  	[sflag:s11] =	ssyncset.done $0x0  }
0x163: {  	s0 =	rddreg [dreg:$0x15];
	[sflag:s11] =	ssyncadd.s32 $0xFFFFC000  }
0x164: {  	[hbm4b:s0+s2] =	stream.linear.scatter [tilespmem:s9], [sflag:$0x3], $0x4000, $0x38;
	[tilespmem:$0x8C00] =	vst v63  }
0x165: {  	_ =	swait.ge [sflag:s4], $0x4000  }
0x166: {  	[sflag:s4] =	ssyncset.done $0x0  }
0x167: {  	[sflag:s4] =	ssyncadd.s32 $0xFFFFC000  }
0x168: {  	[tilespmem:s9], [sflag:$0x1] =	stream.indirect.gather [hbm4b:s3+s10], $0x80, s14, s10, $0xb8;
	[tilespmem:$0x8C00] =	vst v63  }
0x169: {  	_ =	swait.ge [sflag:s8], $0x4000  }
0x16a: {  	[sflag:s8] =	ssyncset.done $0x0  }
0x16b: {  	s0 =	rddreg [dreg:$0x16];
	[sflag:s8] =	ssyncadd.s32 $0xFFFFC000  }
0x16c: {  	[hbm4b:s0+s2] =	stream.linear.scatter [tilespmem:s7], [sflag:$0x3], $0x4000, $0x38;
	[tilespmem:$0x8C00] =	vst v63  }
0x16d: {  	_ =	swait.ge [sflag:s4], $0x4000  }
0x16e: {  	[sflag:s4] =	ssyncset.done $0x0  }
0x16f: {  	[sflag:s4] =	ssyncadd.s32 $0xFFFFC000  }
0x170: {  	[tilespmem:s7], [sflag:$0x2] =	stream.indirect.gather [hbm4b:s3+s10], $0x80, s16, s10, $0xb8;
	[tilespmem:$0x8C00] =	vst v63  }
0x171: {  	_ =	swait.ge [sflag:s11], $0x4000  }
0x172: {  	[sflag:s11] =	ssyncset.done $0x0  }
0x173: {  	s0 =	rddreg [dreg:$0x17];
	[sflag:s11] =	ssyncadd.s32 $0xFFFFC000  }
0x174: {  	[hbm4b:s0+s2] =	stream.linear.scatter [tilespmem:s9], [sflag:$0x3], $0x4000, $0x38;
	[tilespmem:$0x8C00] =	vst v63  }
0x175: {  	_ =	swait.ge [sflag:s4], $0x4000  }
0x176: {  	[sflag:s4] =	ssyncset.done $0x0  }
0x177: {  	[sflag:s4] =	ssyncadd.s32 $0xFFFFC000  }
0x178: {  	[tilespmem:s9], [sflag:$0x1] =	stream.indirect.gather [hbm4b:s3+s10], $0x80, s15, s10, $0xb8;
	[tilespmem:$0x8C00] =	vst v63  }
0x179: {  	_ =	swait.ge [sflag:s8], $0x4000  }
0x17a: {  	[sflag:s8] =	ssyncset.done $0x0  }
0x17b: {  	s0 =	rddreg [dreg:$0x18];
	[sflag:s8] =	ssyncadd.s32 $0xFFFFC000  }
0x17c: {  	[hbm4b:s0+s2] =	stream.linear.scatter [tilespmem:s7], [sflag:$0x3], $0x4000, $0x38;
	[tilespmem:$0x8C00] =	vst v63  }
0x17d: {  	_ =	swait.ge [sflag:s4], $0x4000  }
0x17e: {  	[sflag:s4] =	ssyncset.done $0x0  }
0x17f: {  	[sflag:s4] =	ssyncadd.s32 $0xFFFFC000  }
0x180: {  	[tilespmem:s7], [sflag:$0x2] =	stream.indirect.gather [hbm4b:s3+s10], $0x80, s13, s10, $0xb8;
	[tilespmem:$0x8C00] =	vst v63  }
0x181: {  	_ =	swait.ge [sflag:s11], $0x4000  }
0x182: {  	[sflag:s11] =	ssyncset.done $0x0  }
0x183: {  	[sflag:s11] =	ssyncadd.s32 $0xFFFFC000  }
0x184: {  	[hbm4b:s6+s2] =	stream.linear.scatter [tilespmem:s9], [sflag:$0x3], $0x4000, $0x38;
	[tilespmem:$0x8C00] =	vst v63  }
0x185: {  	_ =	swait.ge [sflag:s4], $0x4000  }
0x186: {  	[sflag:s4] =	ssyncset.done $0x0  }
0x187: {  	[sflag:s4] =	ssyncadd.s32 $0xFFFFC000  }
0x188: {  	p1 =	sne.s32 s1, $0x1;
	_ =	swait.ge [sflag:s8], $0x4000  }
.Ltmp2:
0x189: {  	[sflag:s8] =	ssyncset.done $0x0;
	(pc) =	sbr.rel @p1 .LBB2_2-.Ltmp2, $4  }
0x18a: {  	[sflag:s8] =	ssyncadd.s32 $0xFFFFC000  }
0x18b: {  	[hbm4b:s5+s2] =	stream.linear.scatter [tilespmem:s7], [sflag:$0x3], $0x4000, $0x38;
	[tilespmem:$0x8C00] =	vst v63  }
0x18c: {  	_ =	swait.ge [sflag:s4], $0x4000  }
0x18d: {  	s1 =	sadd.s32 $0xFFFFFFFF, s1;
	s0 =	rddreg [dreg:$0x2];
	[sflag:s4] =	ssyncset.done $0x0  }
.LBB2_3:
0x18e: {  	[sflag:s4] =	ssyncadd.s32 @p0 $0xFFFFC000  }
0x18f: {  	[tilespmem:s2], [sflag:$0x3] =	stream.linear.gather [hbm4b:s0+s2], $0x200, $0x38;
	[tilespmem:$0x8C00] =	vst v63  }
0x190: {  	_ =	swait.ge [sflag:s4], $0x200  }
0x191: {  	[sflag:s4] =	ssyncset.done $0x0  }
0x192: {  	s1 =	rddreg [dreg:$0x3];
	[sflag:s4] =	ssyncadd.s32 $0xFFFFFE00  }
0x193: {  	[tilespmem:s28], [sflag:$0x3] =	stream.linear.gather [hbm4b:s1+s2], $0x200, $0x38;
	[tilespmem:$0x8C00] =	vst v63  }
0x194: {  	_ =	swait.ge [sflag:s4], $0x200  }
0x195: {  	[sflag:s4] =	ssyncset.done $0x0  }
0x196: {  	s1 =	rddreg [dreg:$0x4];
	[sflag:s4] =	ssyncadd.s32 $0xFFFFFE00  }
0x197: {  	[tilespmem:s23], [sflag:$0x3] =	stream.linear.gather [hbm4b:s1+s2], $0x200, $0x38;
	[tilespmem:$0x8C00] =	vst v63  }
0x198: {  	_ =	swait.ge [sflag:s4], $0x200  }
0x199: {  	[sflag:s4] =	ssyncset.done $0x0  }
0x19a: {  	s1 =	rddreg [dreg:$0x5];
	[sflag:s4] =	ssyncadd.s32 $0xFFFFFE00  }
0x19b: {  	[tilespmem:s18], [sflag:$0x3] =	stream.linear.gather [hbm4b:s1+s2], $0x200, $0x38;
	[tilespmem:$0x8C00] =	vst v63  }
0x19c: {  	_ =	swait.ge [sflag:s4], $0x200  }
0x19d: {  	[sflag:s4] =	ssyncset.done $0x0  }
0x19e: {  	s1 =	rddreg [dreg:$0x6];
	[sflag:s4] =	ssyncadd.s32 $0xFFFFFE00  }
0x19f: {  	[tilespmem:s14], [sflag:$0x3] =	stream.linear.gather [hbm4b:s1+s2], $0x200, $0x38;
	[tilespmem:$0x8C00] =	vst v63  }
0x1a0: {  	_ =	swait.ge [sflag:s4], $0x200  }
0x1a1: {  	[sflag:s4] =	ssyncset.done $0x0  }
0x1a2: {  	[sflag:s4] =	ssyncadd.s32 $0xFFFFFE00  }
0x1a3: {  	[tilespmem:s9], [sflag:$0x1] =	stream.indirect.gather [hbm4b:s12+s10], $0x80, s2, s10, $0xb8;
	[tilespmem:$0x8C00] =	vst v63  }
0x1a4: {  	_ = 	snop  }
0x1a5: {  	[tilespmem:s7], [sflag:$0x2] =	stream.indirect.gather [hbm4b:s12+s10], $0x80, s10, s10, $0xb8;
	[tilespmem:$0x8C00] =	vst v63  }
0x1a6: {  	_ =	swait.ge [sflag:s11], $0x4000  }
0x1a7: {  	[sflag:s11] =	ssyncset.done $0x0  }
0x1a8: {  	s1 =	rddreg [dreg:$0x7];
	[sflag:s11] =	ssyncadd.s32 $0xFFFFC000  }
0x1a9: {  	[hbm4b:s1+s2] =	stream.linear.scatter [tilespmem:s9], [sflag:$0x3], $0x4000, $0x38;
	[tilespmem:$0x8C00] =	vst v63  }
0x1aa: {  	_ =	swait.ge [sflag:s4], $0x4000  }
0x1ab: {  	[sflag:s4] =	ssyncset.done $0x0  }
0x1ac: {  	[sflag:s4] =	ssyncadd.s32 $0xFFFFC000  }
0x1ad: {  	[tilespmem:s9], [sflag:$0x1] =	stream.indirect.gather [hbm4b:s12+s10], $0x80, s31, s10, $0xb8;
	[tilespmem:$0x8C00] =	vst v63  }
0x1ae: {  	_ =	swait.ge [sflag:s8], $0x4000  }
0x1af: {  	[sflag:s8] =	ssyncset.done $0x0  }
0x1b0: {  	s1 =	rddreg [dreg:$0x8];
	[sflag:s8] =	ssyncadd.s32 $0xFFFFC000  }
0x1b1: {  	[hbm4b:s1+s2] =	stream.linear.scatter [tilespmem:s7], [sflag:$0x3], $0x4000, $0x38;
	[tilespmem:$0x8C00] =	vst v63  }
0x1b2: {  	_ =	swait.ge [sflag:s4], $0x4000  }
0x1b3: {  	[sflag:s4] =	ssyncset.done $0x0  }
0x1b4: {  	[sflag:s4] =	ssyncadd.s32 $0xFFFFC000  }
0x1b5: {  	[tilespmem:s7], [sflag:$0x2] =	stream.indirect.gather [hbm4b:s12+s10], $0x80, s30, s10, $0xb8;
	[tilespmem:$0x8C00] =	vst v63  }
0x1b6: {  	_ =	swait.ge [sflag:s11], $0x4000  }
0x1b7: {  	[sflag:s11] =	ssyncset.done $0x0  }
0x1b8: {  	s30 =	rddreg [dreg:$0x9];
	[sflag:s11] =	ssyncadd.s32 $0xFFFFC000  }
0x1b9: {  	[hbm4b:s30+s2] =	stream.linear.scatter [tilespmem:s9], [sflag:$0x3], $0x4000, $0x38;
	[tilespmem:$0x8C00] =	vst v63  }
0x1ba: {  	_ =	swait.ge [sflag:s4], $0x4000  }
0x1bb: {  	[sflag:s4] =	ssyncset.done $0x0  }
0x1bc: {  	[sflag:s4] =	ssyncadd.s32 $0xFFFFC000  }
0x1bd: {  	[tilespmem:s9], [sflag:$0x1] =	stream.indirect.gather [hbm4b:s12+s10], $0x80, s28, s10, $0xb8;
	[tilespmem:$0x8C00] =	vst v63  }
0x1be: {  	_ =	swait.ge [sflag:s8], $0x4000  }
0x1bf: {  	[sflag:s8] =	ssyncset.done $0x0  }
0x1c0: {  	s31 =	rddreg [dreg:$0xa];
	[sflag:s8] =	ssyncadd.s32 $0xFFFFC000  }
0x1c1: {  	[hbm4b:s31+s2] =	stream.linear.scatter [tilespmem:s7], [sflag:$0x3], $0x4000, $0x38;
	[tilespmem:$0x8C00] =	vst v63  }
0x1c2: {  	_ =	swait.ge [sflag:s4], $0x4000  }
0x1c3: {  	[sflag:s4] =	ssyncset.done $0x0  }
0x1c4: {  	[sflag:s4] =	ssyncadd.s32 $0xFFFFC000  }
0x1c5: {  	[tilespmem:s7], [sflag:$0x2] =	stream.indirect.gather [hbm4b:s12+s10], $0x80, s29, s10, $0xb8;
	[tilespmem:$0x8C00] =	vst v63  }
0x1c6: {  	_ =	swait.ge [sflag:s11], $0x4000  }
0x1c7: {  	[sflag:s11] =	ssyncset.done $0x0  }
0x1c8: {  	s1 =	rddreg [dreg:$0xb];
	[sflag:s11] =	ssyncadd.s32 $0xFFFFC000  }
0x1c9: {  	[hbm4b:s1+s2] =	stream.linear.scatter [tilespmem:s9], [sflag:$0x3], $0x4000, $0x38;
	[tilespmem:$0x8C00] =	vst v63  }
0x1ca: {  	_ =	swait.ge [sflag:s4], $0x4000  }
0x1cb: {  	[sflag:s4] =	ssyncset.done $0x0  }
0x1cc: {  	[sflag:s4] =	ssyncadd.s32 $0xFFFFC000  }
0x1cd: {  	[tilespmem:s9], [sflag:$0x1] =	stream.indirect.gather [hbm4b:s12+s10], $0x80, s26, s10, $0xb8;
	[tilespmem:$0x8C00] =	vst v63  }
0x1ce: {  	_ =	swait.ge [sflag:s8], $0x4000  }
0x1cf: {  	[sflag:s8] =	ssyncset.done $0x0  }
0x1d0: {  	s28 =	rddreg [dreg:$0xc];
	[sflag:s8] =	ssyncadd.s32 $0xFFFFC000  }
0x1d1: {  	[hbm4b:s28+s2] =	stream.linear.scatter [tilespmem:s7], [sflag:$0x3], $0x4000, $0x38;
	[tilespmem:$0x8C00] =	vst v63  }
0x1d2: {  	_ =	swait.ge [sflag:s4], $0x4000  }
0x1d3: {  	[sflag:s4] =	ssyncset.done $0x0  }
0x1d4: {  	[sflag:s4] =	ssyncadd.s32 $0xFFFFC000  }
0x1d5: {  	[tilespmem:s7], [sflag:$0x2] =	stream.indirect.gather [hbm4b:s12+s10], $0x80, s25, s10, $0xb8;
	[tilespmem:$0x8C00] =	vst v63  }
0x1d6: {  	_ =	swait.ge [sflag:s11], $0x4000  }
0x1d7: {  	[sflag:s11] =	ssyncset.done $0x0  }
0x1d8: {  	s29 =	rddreg [dreg:$0xd];
	[sflag:s11] =	ssyncadd.s32 $0xFFFFC000  }
0x1d9: {  	[hbm4b:s29+s2] =	stream.linear.scatter [tilespmem:s9], [sflag:$0x3], $0x4000, $0x38;
	[tilespmem:$0x8C00] =	vst v63  }
0x1da: {  	_ =	swait.ge [sflag:s4], $0x4000  }
0x1db: {  	[sflag:s4] =	ssyncset.done $0x0  }
0x1dc: {  	[sflag:s4] =	ssyncadd.s32 $0xFFFFC000  }
0x1dd: {  	[tilespmem:s9], [sflag:$0x1] =	stream.indirect.gather [hbm4b:s12+s10], $0x80, s23, s10, $0xb8;
	[tilespmem:$0x8C00] =	vst v63  }
0x1de: {  	_ =	swait.ge [sflag:s8], $0x4000  }
0x1df: {  	[sflag:s8] =	ssyncset.done $0x0  }
0x1e0: {  	s30 =	rddreg [dreg:$0xe];
	[sflag:s8] =	ssyncadd.s32 $0xFFFFC000  }
0x1e1: {  	[hbm4b:s30+s2] =	stream.linear.scatter [tilespmem:s7], [sflag:$0x3], $0x4000, $0x38;
	[tilespmem:$0x8C00] =	vst v63  }
0x1e2: {  	_ =	swait.ge [sflag:s4], $0x4000  }
0x1e3: {  	[sflag:s4] =	ssyncset.done $0x0  }
0x1e4: {  	[sflag:s4] =	ssyncadd.s32 $0xFFFFC000  }
0x1e5: {  	[tilespmem:s7], [sflag:$0x2] =	stream.indirect.gather [hbm4b:s12+s10], $0x80, s24, s10, $0xb8;
	[tilespmem:$0x8C00] =	vst v63  }
0x1e6: {  	_ =	swait.ge [sflag:s11], $0x4000  }
0x1e7: {  	[sflag:s11] =	ssyncset.done $0x0  }
0x1e8: {  	s31 =	rddreg [dreg:$0xf];
	[sflag:s11] =	ssyncadd.s32 $0xFFFFC000  }
0x1e9: {  	[hbm4b:s31+s2] =	stream.linear.scatter [tilespmem:s9], [sflag:$0x3], $0x4000, $0x38;
	[tilespmem:$0x8C00] =	vst v63  }
0x1ea: {  	_ =	swait.ge [sflag:s4], $0x4000  }
0x1eb: {  	[sflag:s4] =	ssyncset.done $0x0  }
0x1ec: {  	[sflag:s4] =	ssyncadd.s32 $0xFFFFC000  }
0x1ed: {  	[tilespmem:s9], [sflag:$0x1] =	stream.indirect.gather [hbm4b:s12+s10], $0x80, s22, s10, $0xb8;
	[tilespmem:$0x8C00] =	vst v63  }
0x1ee: {  	_ =	swait.ge [sflag:s8], $0x4000  }
0x1ef: {  	[sflag:s8] =	ssyncset.done $0x0  }
0x1f0: {  	s1 =	rddreg [dreg:$0x10];
	[sflag:s8] =	ssyncadd.s32 $0xFFFFC000  }
0x1f1: {  	[hbm4b:s1+s2] =	stream.linear.scatter [tilespmem:s7], [sflag:$0x3], $0x4000, $0x38;
	[tilespmem:$0x8C00] =	vst v63  }
0x1f2: {  	_ =	swait.ge [sflag:s4], $0x4000  }
0x1f3: {  	[sflag:s4] =	ssyncset.done $0x0  }
0x1f4: {  	[sflag:s4] =	ssyncadd.s32 $0xFFFFC000  }
0x1f5: {  	[tilespmem:s7], [sflag:$0x2] =	stream.indirect.gather [hbm4b:s12+s10], $0x80, s21, s10, $0xb8;
	[tilespmem:$0x8C00] =	vst v63  }
0x1f6: {  	_ =	swait.ge [sflag:s11], $0x4000  }
0x1f7: {  	[sflag:s11] =	ssyncset.done $0x0  }
0x1f8: {  	s22 =	rddreg [dreg:$0x11];
	[sflag:s11] =	ssyncadd.s32 $0xFFFFC000  }
0x1f9: {  	[hbm4b:s22+s2] =	stream.linear.scatter [tilespmem:s9], [sflag:$0x3], $0x4000, $0x38;
	[tilespmem:$0x8C00] =	vst v63  }
0x1fa: {  	_ =	swait.ge [sflag:s4], $0x4000  }
0x1fb: {  	[sflag:s4] =	ssyncset.done $0x0  }
0x1fc: {  	[sflag:s4] =	ssyncadd.s32 $0xFFFFC000  }
0x1fd: {  	[tilespmem:s9], [sflag:$0x1] =	stream.indirect.gather [hbm4b:s12+s10], $0x80, s18, s10, $0xb8;
	[tilespmem:$0x8C00] =	vst v63  }
0x1fe: {  	_ =	swait.ge [sflag:s8], $0x4000  }
0x1ff: {  	[sflag:s8] =	ssyncset.done $0x0  }
0x200: {  	s23 =	rddreg [dreg:$0x12];
	[sflag:s8] =	ssyncadd.s32 $0xFFFFC000  }
0x201: {  	[hbm4b:s23+s2] =	stream.linear.scatter [tilespmem:s7], [sflag:$0x3], $0x4000, $0x38;
	[tilespmem:$0x8C00] =	vst v63  }
0x202: {  	_ =	swait.ge [sflag:s4], $0x4000  }
0x203: {  	[sflag:s4] =	ssyncset.done $0x0  }
0x204: {  	[sflag:s4] =	ssyncadd.s32 $0xFFFFC000  }
0x205: {  	[tilespmem:s7], [sflag:$0x2] =	stream.indirect.gather [hbm4b:s12+s10], $0x80, s20, s10, $0xb8;
	[tilespmem:$0x8C00] =	vst v63  }
0x206: {  	_ =	swait.ge [sflag:s11], $0x4000  }
0x207: {  	[sflag:s11] =	ssyncset.done $0x0  }
0x208: {  	s24 =	rddreg [dreg:$0x13];
	[sflag:s11] =	ssyncadd.s32 $0xFFFFC000  }
0x209: {  	[hbm4b:s24+s2] =	stream.linear.scatter [tilespmem:s9], [sflag:$0x3], $0x4000, $0x38;
	[tilespmem:$0x8C00] =	vst v63  }
0x20a: {  	_ =	swait.ge [sflag:s4], $0x4000  }
0x20b: {  	[sflag:s4] =	ssyncset.done $0x0  }
0x20c: {  	[sflag:s4] =	ssyncadd.s32 $0xFFFFC000  }
0x20d: {  	[tilespmem:s9], [sflag:$0x1] =	stream.indirect.gather [hbm4b:s12+s10], $0x80, s19, s10, $0xb8;
	[tilespmem:$0x8C00] =	vst v63  }
0x20e: {  	_ =	swait.ge [sflag:s8], $0x4000  }
0x20f: {  	[sflag:s8] =	ssyncset.done $0x0  }
0x210: {  	s25 =	rddreg [dreg:$0x14];
	[sflag:s8] =	ssyncadd.s32 $0xFFFFC000  }
0x211: {  	[hbm4b:s25+s2] =	stream.linear.scatter [tilespmem:s7], [sflag:$0x3], $0x4000, $0x38;
	[tilespmem:$0x8C00] =	vst v63  }
0x212: {  	_ =	swait.ge [sflag:s4], $0x4000  }
0x213: {  	[sflag:s4] =	ssyncset.done $0x0  }
0x214: {  	[sflag:s4] =	ssyncadd.s32 $0xFFFFC000  }
0x215: {  	[tilespmem:s7], [sflag:$0x2] =	stream.indirect.gather [hbm4b:s12+s10], $0x80, s17, s10, $0xb8;
	[tilespmem:$0x8C00] =	vst v63  }
0x216: {  	_ =	swait.ge [sflag:s11], $0x4000  }
0x217: {  	[sflag:s11] =	ssyncset.done $0x0  }
0x218: {  	s26 =	rddreg [dreg:$0x15];
	[sflag:s11] =	ssyncadd.s32 $0xFFFFC000  }
0x219: {  	[hbm4b:s26+s2] =	stream.linear.scatter [tilespmem:s9], [sflag:$0x3], $0x4000, $0x38;
	[tilespmem:$0x8C00] =	vst v63  }
0x21a: {  	_ =	swait.ge [sflag:s4], $0x4000  }
0x21b: {  	[sflag:s4] =	ssyncset.done $0x0  }
0x21c: {  	[sflag:s4] =	ssyncadd.s32 $0xFFFFC000  }
0x21d: {  	[tilespmem:s9], [sflag:$0x1] =	stream.indirect.gather [hbm4b:s3+s10], $0x80, s14, s10, $0xb8;
	[tilespmem:$0x8C00] =	vst v63  }
0x21e: {  	_ =	swait.ge [sflag:s8], $0x4000  }
0x21f: {  	[sflag:s8] =	ssyncset.done $0x0  }
0x220: {  	s28 =	rddreg [dreg:$0x16];
	[sflag:s8] =	ssyncadd.s32 $0xFFFFC000  }
0x221: {  	[hbm4b:s28+s2] =	stream.linear.scatter [tilespmem:s7], [sflag:$0x3], $0x4000, $0x38;
	[tilespmem:$0x8C00] =	vst v63  }
0x222: {  	_ =	swait.ge [sflag:s4], $0x4000  }
0x223: {  	[sflag:s4] =	ssyncset.done $0x0  }
0x224: {  	[sflag:s4] =	ssyncadd.s32 $0xFFFFC000  }
0x225: {  	[tilespmem:s7], [sflag:$0x2] =	stream.indirect.gather [hbm4b:s3+s10], $0x80, s16, s10, $0xb8;
	[tilespmem:$0x8C00] =	vst v63  }
0x226: {  	_ =	swait.ge [sflag:s11], $0x4000  }
0x227: {  	[sflag:s11] =	ssyncset.done $0x0  }
0x228: {  	s29 =	rddreg [dreg:$0x17];
	[sflag:s11] =	ssyncadd.s32 $0xFFFFC000  }
0x229: {  	[hbm4b:s29+s2] =	stream.linear.scatter [tilespmem:s9], [sflag:$0x3], $0x4000, $0x38;
	[tilespmem:$0x8C00] =	vst v63  }
0x22a: {  	_ =	swait.ge [sflag:s4], $0x4000  }
0x22b: {  	[sflag:s4] =	ssyncset.done $0x0  }
0x22c: {  	[sflag:s4] =	ssyncadd.s32 $0xFFFFC000  }
0x22d: {  	[tilespmem:s9], [sflag:$0x1] =	stream.indirect.gather [hbm4b:s3+s10], $0x80, s15, s10, $0xb8;
	[tilespmem:$0x8C00] =	vst v63  }
0x22e: {  	_ =	swait.ge [sflag:s8], $0x4000  }
0x22f: {  	[sflag:s8] =	ssyncset.done $0x0  }
0x230: {  	s30 =	rddreg [dreg:$0x18];
	[sflag:s8] =	ssyncadd.s32 $0xFFFFC000  }
0x231: {  	[hbm4b:s30+s2] =	stream.linear.scatter [tilespmem:s7], [sflag:$0x3], $0x4000, $0x38;
	[tilespmem:$0x8C00] =	vst v63  }
0x232: {  	_ =	swait.ge [sflag:s4], $0x4000  }
0x233: {  	[sflag:s4] =	ssyncset.done $0x0  }
0x234: {  	[sflag:s4] =	ssyncadd.s32 $0xFFFFC000  }
0x235: {  	[tilespmem:s7], [sflag:$0x2] =	stream.indirect.gather [hbm4b:s3+s10], $0x80, s13, s10, $0xb8;
	[tilespmem:$0x8C00] =	vst v63  }
0x236: {  	_ =	swait.ge [sflag:s11], $0x4000  }
0x237: {  	[sflag:s11] =	ssyncset.done $0x0  }
0x238: {  	[sflag:s11] =	ssyncadd.s32 $0xFFFFC000  }
0x239: {  	[hbm4b:s6+s2] =	stream.linear.scatter [tilespmem:s9], [sflag:$0x3], $0x4000, $0x38;
	[tilespmem:$0x8C00] =	vst v63  }
0x23a: {  	_ =	swait.ge [sflag:s4], $0x4000  }
0x23b: {  	[sflag:s4] =	ssyncset.done $0x0  }
0x23c: {  	[sflag:s4] =	ssyncadd.s32 $0xFFFFC000  }
0x23d: {  	_ =	swait.ge [sflag:s8], $0x4000  }
0x23e: {  	[sflag:s8] =	ssyncset.done $0x0  }
0x23f: {  	[sflag:s8] =	ssyncadd.s32 $0xFFFFC000  }
0x240: {  	[hbm4b:s5+s2] =	stream.linear.scatter [tilespmem:s7], [sflag:$0x3], $0x4000, $0x38;
	[tilespmem:$0x8C00] =	vst v63  }
0x241: {  	_ =	swait.ge [sflag:s4], $0x4000  }
0x242: {  	[sflag:s4] =	ssyncset.done $0x0  }
0x243: {  	[sflag:s4] =	ssyncadd.s32 $0xFFFFC000  }
0x244: {  	_ =	sfence.sel $0x180000  }
0x245: {  	[bflag:$0x0] =	sbarrier.arrive $0xFFFF  }
0x246: {  	_ =	strace $0x90000047  }
0x247: {  	s31 =	stileid.u32;
	[bflag:$0x2] =	sbarrier.arrive $0xFFFF  }
0x248: {  	p0 =	sne.s32 s31, $0x0;
	s0 =	rddreg [dreg:$0x1]  }
0x249: {  	s0 =	sadd.s32 @!p0 $0x100000, s0  }
0x24a: {  	[sflag:s0] =	ssyncadd.tile.s32 @!p0 $0x1;
	_ =	shalt  }
.Lfunc_end2:
_tile_overlayer_lowered:
.L_overlay_start_2:
0x24b: {  	(tag) =	ssettag $0x2  }
0x24c: {  	s0 =	rddreg [dreg:$0x0];
	s2 =	stileid.u32  }
0x24d: {  	s1 =	rddreg [dreg:$0x1];
	p0 =	sne.s32 s2, $0x0  }
0x24e: {  	s3 =	rddreg [dreg:$0x2];
	[bflag:$0x3] =	sbarrier.arrive $0xFFFF;
	s2 =	simm.s32 @!p0 $0x1C03  }
0x24f: {  	[timem:s3], [sflag:s2] =	dma.local @!p0 [hbm:s0], s1  }
0x250: {  	s0 =	simm.s32 @!p0 $0x3  }
0x251: {  	_ =	swait.ge @!p0 [sflag:s0], s1  }
0x252: {  	s1 =	ssub.s32 @!p0 $0x0, s1;
	[sflag:s0] =	ssyncset.done @!p0 $0x0  }
0x253: {  	[sflag:s0] =	ssyncadd.s32 @!p0 s1  }
0x254: {  	[bflag:$0x3] =	sbarrier.arrive $0xFFFF  }
0x255: {  	_ =	shalt  }

</sc_bundles>
